<compile_context>
chip_gen: v7x
topology: tpu7x:2x2x1
jax: 0.10.2.dev20260603
libtpu: 0.0.44.dev20260713+nightly
codegen_flags: <defaults>
</compile_context>

<pallas_src>
import functools

import jax
import jax.numpy as jnp
from jax import lax
from jax.experimental import pallas as pl
from jax.experimental.pallas import tpu as pltpu
from jax.experimental.pallas import tpu_sc as plsc

N = 10000
D = 128
E = 320000

NC = 2
NS = 16
NW = NC * NS
CH = 128
NCH = (E + NW * CH - 1) // (NW * CH)
EPAD = NW * NCH * CH - E
N_ACC = ((N + NS * 8 - 1) // (NS * 8)) * NS * 8
RPS = N_ACC // NS

BR = 400
GRID = N // BR

_mesh = plsc.VectorSubcoreMesh(
    core_axis_name="c", subcore_axis_name="s", num_cores=NC, num_subcores=NS)


def _zero_chunks(total, step):
    out = []
    k = 0
    while k < total:
        out.append((k, min(step, total - k)))
        k += step
    return out


@functools.partial(
    pl.kernel,
    out_type=jax.ShapeDtypeStruct((NC, N_ACC, D), jnp.float32),
    mesh=_mesh,
    scratch_types=[
        pltpu.VMEM((NCH, CH), jnp.int32),
        pltpu.VMEM((CH, D), jnp.float32),
        pltpu.VMEM_SHARED((N_ACC, D), jnp.float32),
    ],
)
def _sc_deg(dstw, z128, o128, deg_out, dst_idx, vals, degs):
    c = lax.axis_index("c")
    s = lax.axis_index("s")
    w = s * NC + c
    pltpu.sync_copy(z128, vals)
    r0 = s * RPS
    for k, sz in _zero_chunks(RPS, CH):
        pltpu.sync_copy(vals.at[pl.ds(0, sz)], degs.at[pl.ds(r0 + k, sz)])
    pltpu.sync_copy(o128, vals)
    plsc.subcore_barrier()
    pltpu.sync_copy(dstw.at[w], dst_idx)

    def chunk(i, carry):
        pltpu.sync_copy(vals, degs.at[dst_idx.at[i]], add=True)
        return carry

    lax.fori_loop(0, NCH, chunk, 0)
    plsc.subcore_barrier()
    pltpu.sync_copy(degs.at[pl.ds(r0, RPS)], deg_out.at[c].at[pl.ds(r0, RPS)])


@functools.partial(
    pl.kernel,
    out_type=jax.ShapeDtypeStruct((NC, N_ACC, D), jnp.float32),
    mesh=_mesh,
    scratch_types=[
        pltpu.VMEM((NCH, CH), jnp.int32),
        pltpu.VMEM((NCH, CH), jnp.int32),
        pltpu.VMEM((CH, D), jnp.float32),
        pltpu.VMEM_SHARED((N_ACC, D), jnp.float32),
        pltpu.SemaphoreType.DMA,
    ],
)
def _sc_agg(p_hbm, srcw, dstw, z128, agg_out,
            src_idx, dst_idx, rows, acc, sem):
    c = lax.axis_index("c")
    s = lax.axis_index("s")
    w = s * NC + c
    pltpu.sync_copy(z128, rows)
    r0 = s * RPS
    for k, sz in _zero_chunks(RPS, CH):
        pltpu.sync_copy(rows.at[pl.ds(0, sz)], acc.at[pl.ds(r0 + k, sz)])
    plsc.subcore_barrier()
    pltpu.sync_copy(srcw.at[w], src_idx)
    pltpu.sync_copy(dstw.at[w], dst_idx)

    def chunk(i, carry):
        pltpu.async_copy(p_hbm.at[src_idx.at[i]], rows, sem).wait()
        pltpu.sync_copy(rows, acc.at[dst_idx.at[i]], add=True)
        return carry

    lax.fori_loop(0, NCH, chunk, 0)
    plsc.subcore_barrier()
    pltpu.sync_copy(acc.at[pl.ds(r0, RPS)], agg_out.at[c].at[pl.ds(r0, RPS)])



def _mm1_body(x_ref, w_ref, p_ref, q_ref):
    pq = jax.lax.dot_general(
        x_ref[...], w_ref[...], (((1,), (0,)), ((), ())),
        precision=lax.Precision.HIGHEST, preferred_element_type=jnp.float32)
    p_ref[...] = pq[:, :D]
    q_ref[...] = pq[:, D:]


_mm1 = pl.pallas_call(
    _mm1_body,
    grid=(GRID,),
    in_specs=[
        pl.BlockSpec((BR, D), lambda i: (i, 0)),
        pl.BlockSpec((D, 2 * D), lambda i: (0, 0)),
    ],
    out_specs=[
        pl.BlockSpec((BR, D), lambda i: (i, 0)),
        pl.BlockSpec((BR, D), lambda i: (i, 0)),
    ],
    out_shape=[jax.ShapeDtypeStruct((N, D), jnp.float32),
               jax.ShapeDtypeStruct((N, D), jnp.float32)],
)


def _combine2_body(agg_ref, deg_ref, q_ref, b_ref, w_ref, p2_ref, q2_ref):
    a = agg_ref[0] + agg_ref[1]
    deg = deg_ref[0, :, :1] + deg_ref[1, :, :1]
    mean = a / jnp.maximum(deg, 1.0)
    h = jnp.maximum(mean + b_ref[...] + q_ref[...], 0.0)
    pq = jax.lax.dot_general(
        h, w_ref[...], (((1,), (0,)), ((), ())),
        precision=lax.Precision.HIGHEST, preferred_element_type=jnp.float32)
    p2_ref[...] = pq[:, :D]
    q2_ref[...] = pq[:, D:]


_combine2 = pl.pallas_call(
    _combine2_body,
    grid=(GRID,),
    in_specs=[
        pl.BlockSpec((NC, BR, D), lambda i: (0, i, 0)),
        pl.BlockSpec((NC, BR, D), lambda i: (0, i, 0)),
        pl.BlockSpec((BR, D), lambda i: (i, 0)),
        pl.BlockSpec((1, D), lambda i: (0, 0)),
        pl.BlockSpec((D, 2 * D), lambda i: (0, 0)),
    ],
    out_specs=[
        pl.BlockSpec((BR, D), lambda i: (i, 0)),
        pl.BlockSpec((BR, D), lambda i: (i, 0)),
    ],
    out_shape=[jax.ShapeDtypeStruct((N, D), jnp.float32),
               jax.ShapeDtypeStruct((N, D), jnp.float32)],
)


def _final_body(agg_ref, deg_ref, q_ref, b_ref, o_ref):
    a = agg_ref[0] + agg_ref[1]
    deg = deg_ref[0, :, :1] + deg_ref[1, :, :1]
    mean = a / jnp.maximum(deg, 1.0)
    o_ref[...] = jax.nn.sigmoid(mean + b_ref[...] + q_ref[...])


_final = pl.pallas_call(
    _final_body,
    grid=(GRID,),
    in_specs=[
        pl.BlockSpec((NC, BR, D), lambda i: (0, i, 0)),
        pl.BlockSpec((NC, BR, D), lambda i: (0, i, 0)),
        pl.BlockSpec((BR, D), lambda i: (i, 0)),
        pl.BlockSpec((1, D), lambda i: (0, 0)),
    ],
    out_specs=pl.BlockSpec((BR, D), lambda i: (i, 0)),
    out_shape=jax.ShapeDtypeStruct((N, D), jnp.float32),
)


def kernel(x, edge_index, edge_attr, Wl1, bl1, Wr1, Wl2, bl2, Wr2):
    src = edge_index[0]
    dst = edge_index[1]
    srcw = jnp.concatenate(
        [src, jnp.zeros((EPAD,), jnp.int32)]).reshape(NW, NCH, CH)
    dstw = jnp.concatenate(
        [dst, jnp.full((EPAD,), N, jnp.int32)]).reshape(NW, NCH, CH)
    z128 = jnp.zeros((CH, D), jnp.float32)
    o128 = jnp.ones((CH, D), jnp.float32)
    wcat1 = jnp.concatenate([Wl1.T, Wr1.T], axis=1)
    wcat2 = jnp.concatenate([Wl2.T, Wr2.T], axis=1)
    b1 = bl1.reshape(1, D)
    b2 = bl2.reshape(1, D)

    p1, q1 = _mm1(x, wcat1)
    degp = _sc_deg(dstw, z128, o128)
    agg1 = _sc_agg(p1, srcw, dstw, z128)
    p2, q2 = _combine2(agg1, degp, q1, b1, wcat2)
    agg2 = _sc_agg(p2, srcw, dstw, z128)
    return _final(agg2, degp, q2, b2)

# --- scband reference (transcript-rebuilt; emitter-appended) ---
"""Pipeline reference for scband-sagenet-ray-1769526526168 (READ-ONLY COPY).

The authoritative reference and input builder live on the scoring server;
editing this copy changes nothing except your own understanding.
"""

import jax, jax.numpy as jnp
import numpy as np

N = 10000
E = 320000
D = 128


def setup_inputs(seed: int = 0) -> dict:
    key = jax.random.key(seed)
    ks = jax.random.split(key, 10)
    x = jax.random.normal(ks[0], (N, D), dtype=jnp.float32)
    edge_index = jax.random.randint(ks[1], (2, E), 0, N, dtype=jnp.int32)
    edge_attr = jax.random.normal(ks[2], (E, 4), dtype=jnp.float32)
    s = 1.0 / np.sqrt(D)
    Wl1 = jax.random.uniform(ks[3], (D, D), dtype=jnp.float32, minval=-s, maxval=s)
    bl1 = jax.random.uniform(ks[4], (D,), dtype=jnp.float32, minval=-s, maxval=s)
    Wr1 = jax.random.uniform(ks[5], (D, D), dtype=jnp.float32, minval=-s, maxval=s)
    Wl2 = jax.random.uniform(ks[6], (D, D), dtype=jnp.float32, minval=-s, maxval=s)
    bl2 = jax.random.uniform(ks[7], (D,), dtype=jnp.float32, minval=-s, maxval=s)
    Wr2 = jax.random.uniform(ks[8], (D, D), dtype=jnp.float32, minval=-s, maxval=s)
    return {"x": x, "edge_index": edge_index, "edge_attr": edge_attr,
            "Wl1": Wl1, "bl1": bl1, "Wr1": Wr1,
            "Wl2": Wl2, "bl2": bl2, "Wr2": Wr2}


def _sage_conv(h, edge_index, Wl, bl, Wr):
    # PyG SAGEConv: out = lin_l(mean_{j in N(i)} x_j) + lin_r(x_i)
    src = edge_index[0]
    dst = edge_index[1]
    msg = jnp.take(h, src, axis=0)               # gather (SparseCore)
    agg = jax.ops.segment_sum(msg, dst, num_segments=N)   # scatter-add
    deg = jax.ops.segment_sum(jnp.ones((E,), dtype=h.dtype), dst, num_segments=N)
    mean = agg / jnp.clip(deg, 1.0, None)[:, None]
    return mean @ Wl.T + bl + h @ Wr.T


def reference(x, edge_index, edge_attr, Wl1, bl1, Wr1, Wl2, bl2, Wr2):
    # edge_attr is unpacked by the original module but never used by SAGEConv
    h = _sage_conv(x, edge_index, Wl1, bl1, Wr1)
    h = jax.nn.relu(h)                            # layer 1 activation 'relu'
    h = _sage_conv(h, edge_index, Wl2, bl2, Wr2)  # layer 2 activation 'None'
    return jax.nn.sigmoid(h)                      # final_sigmoid_layer=True

if __name__ == "__main__":
    import jax
    _d = setup_inputs()
    print(jax.jit(kernel)(*tuple(_d.values())))

</pallas_src>

<mosaic_0001>
#map = affine_map<(d0, d1) -> (0, 0)>
#map1 = affine_map<(d0, d1) -> (0, 0, 0)>
module attributes {stable_mosaic.version = 14 : i64} {
  func.func @_sc_agg(%arg0: i32, %arg1: i32, %arg2: memref<10000x128xf32, #tpu.memory_space<hbm>>, %arg3: memref<32x79x128xi32, #tpu.memory_space<hbm>>, %arg4: memref<32x79x128xi32, #tpu.memory_space<hbm>>, %arg5: memref<128x128xf32, #tpu.memory_space<hbm>>, %arg6: memref<2x10112x128xf32, #tpu.memory_space<hbm>>, %arg7: memref<79x128xi32, #tpu.memory_space<vmem>>, %arg8: memref<79x128xi32, #tpu.memory_space<vmem>>, %arg9: memref<128x128xf32, #tpu.memory_space<vmem>>, %arg10: memref<10112x128xf32, #tpu.memory_space<vmem_shared>>, %arg11: memref<!tpu.dma_semaphore, #tpu.memory_space<semaphore_mem>>) attributes {dimension_semantics = [#tpu.dimension_semantics<core_parallel>, #tpu.dimension_semantics<subcore_parallel>], iteration_bounds = array<i64: 2, 16>, scalar_prefetch = 0 : i64, scratch_operands = 5 : i64, tpu.core_type = #tpu.core_type<sc_vector_subcore>, window_params = [{transform_indices = #map}, {transform_indices = #map1}, {transform_indices = #map1}, {transform_indices = #map}, {transform_indices = #map1}]} {
    %mul3A = arith.constant 2 : i32
    %mul3A_0 = arith.muli %arg1, %mul3A : i32
    %add3A = arith.addi %mul3A_0, %arg0 : i32
    "tpu.region"() ({
      %run_scoped3A = tpu.sem_alloc : memref<!tpu.dma_semaphore, #tpu.memory_space<semaphore_mem>>
      tpu.enqueue_dma source(%arg5 : memref<128x128xf32, #tpu.memory_space<hbm>>) target(%arg9 : memref<128x128xf32, #tpu.memory_space<vmem>>) target_semaphore(%run_scoped3A : memref<!tpu.dma_semaphore, #tpu.memory_space<semaphore_mem>>)
      tpu.wait_dma2 semaphore(%run_scoped3A : memref<!tpu.dma_semaphore, #tpu.memory_space<semaphore_mem>>) src(%arg5 : memref<128x128xf32, #tpu.memory_space<hbm>>) dst(%arg9 : memref<128x128xf32, #tpu.memory_space<vmem>>)
      tpu.yield
    }) : () -> ()
    %mul3A_1 = arith.constant 632 : i32
    %mul3A_2 = arith.muli %arg1, %mul3A_1 : i32
    %add3A_3 = arith.constant 0 : i32
    %add3A_4 = arith.addi %mul3A_2, %add3A_3 : i32
    "tpu.region"() ({
      %run_scoped3A = tpu.sem_alloc : memref<!tpu.dma_semaphore, #tpu.memory_space<semaphore_mem>>
      %dma_start3A = arith.constant 0 : i32
      %dma_start3A_19 = arith.constant 0 : i32
      %dma_start3A_20 = tpu.memref_slice %arg9[%dma_start3A, %dma_start3A_19] : memref<128x128xf32, #tpu.memory_space<vmem>> -> memref<128x128xf32, #tpu.memory_space<vmem>>
      %dma_start3A_21 = arith.constant 0 : i32
      %dma_start3A_22 = tpu.memref_slice %arg10[%add3A_4, %dma_start3A_21] : memref<10112x128xf32, #tpu.memory_space<vmem_shared>> -> memref<128x128xf32, #tpu.memory_space<vmem_shared>>
      %dma_start3A_23 = arith.constant 0 : i32
      %dma_start3A_24 = tpu.memref_slice %arg10[%add3A_4, %dma_start3A_23] : memref<10112x128xf32, #tpu.memory_space<vmem_shared>> -> memref<128x128xf32, #tpu.memory_space<vmem_shared>>
      %dma_start3A_25 = arith.constant 0 : i32
      %dma_start3A_26 = arith.constant 0 : i32
      %dma_start3A_27 = tpu.memref_slice %arg9[%dma_start3A_25, %dma_start3A_26] : memref<128x128xf32, #tpu.memory_space<vmem>> -> memref<128x128xf32, #tpu.memory_space<vmem>>
      tpu.enqueue_dma source(%dma_start3A_27 : memref<128x128xf32, #tpu.memory_space<vmem>>) target(%dma_start3A_24 : memref<128x128xf32, #tpu.memory_space<vmem_shared>>) target_semaphore(%run_scoped3A : memref<!tpu.dma_semaphore, #tpu.memory_space<semaphore_mem>>)
      %dma_wait3A = arith.constant 0 : i32
      %dma_wait3A_28 = arith.constant 0 : i32
      %dma_wait3A_29 = tpu.memref_slice %arg9[%dma_wait3A, %dma_wait3A_28] : memref<128x128xf32, #tpu.memory_space<vmem>> -> memref<128x128xf32, #tpu.memory_space<vmem>>
      %dma_wait3A_30 = arith.constant 0 : i32
      %dma_wait3A_31 = tpu.memref_slice %arg10[%add3A_4, %dma_wait3A_30] : memref<10112x128xf32, #tpu.memory_space<vmem_shared>> -> memref<128x128xf32, #tpu.memory_space<vmem_shared>>
      %dma_wait3A_32 = arith.constant 0 : i32
      %dma_wait3A_33 = tpu.memref_slice %arg10[%add3A_4, %dma_wait3A_32] : memref<10112x128xf32, #tpu.memory_space<vmem_shared>> -> memref<128x128xf32, #tpu.memory_space<vmem_shared>>
      %dma_wait3A_34 = arith.constant 0 : i32
      %dma_wait3A_35 = arith.constant 0 : i32
      %dma_wait3A_36 = tpu.memref_slice %arg9[%dma_wait3A_34, %dma_wait3A_35] : memref<128x128xf32, #tpu.memory_space<vmem>> -> memref<128x128xf32, #tpu.memory_space<vmem>>
      tpu.wait_dma2 semaphore(%run_scoped3A : memref<!tpu.dma_semaphore, #tpu.memory_space<semaphore_mem>>) src(%dma_wait3A_36 : memref<128x128xf32, #tpu.memory_space<vmem>>) dst(%dma_wait3A_33 : memref<128x128xf32, #tpu.memory_space<vmem_shared>>)
      tpu.yield
    }) : () -> ()
    %add3A_5 = arith.constant 128 : i32
    %add3A_6 = arith.addi %mul3A_2, %add3A_5 : i32
    "tpu.region"() ({
      %run_scoped3A = tpu.sem_alloc : memref<!tpu.dma_semaphore, #tpu.memory_space<semaphore_mem>>
      %dma_start3A = arith.constant 0 : i32
      %dma_start3A_19 = arith.constant 0 : i32
      %dma_start3A_20 = tpu.memref_slice %arg9[%dma_start3A, %dma_start3A_19] : memref<128x128xf32, #tpu.memory_space<vmem>> -> memref<128x128xf32, #tpu.memory_space<vmem>>
      %dma_start3A_21 = arith.constant 0 : i32
      %dma_start3A_22 = tpu.memref_slice %arg10[%add3A_6, %dma_start3A_21] : memref<10112x128xf32, #tpu.memory_space<vmem_shared>> -> memref<128x128xf32, #tpu.memory_space<vmem_shared>>
      %dma_start3A_23 = arith.constant 0 : i32
      %dma_start3A_24 = tpu.memref_slice %arg10[%add3A_6, %dma_start3A_23] : memref<10112x128xf32, #tpu.memory_space<vmem_shared>> -> memref<128x128xf32, #tpu.memory_space<vmem_shared>>
      %dma_start3A_25 = arith.constant 0 : i32
      %dma_start3A_26 = arith.constant 0 : i32
      %dma_start3A_27 = tpu.memref_slice %arg9[%dma_start3A_25, %dma_start3A_26] : memref<128x128xf32, #tpu.memory_space<vmem>> -> memref<128x128xf32, #tpu.memory_space<vmem>>
      tpu.enqueue_dma source(%dma_start3A_27 : memref<128x128xf32, #tpu.memory_space<vmem>>) target(%dma_start3A_24 : memref<128x128xf32, #tpu.memory_space<vmem_shared>>) target_semaphore(%run_scoped3A : memref<!tpu.dma_semaphore, #tpu.memory_space<semaphore_mem>>)
      %dma_wait3A = arith.constant 0 : i32
      %dma_wait3A_28 = arith.constant 0 : i32
      %dma_wait3A_29 = tpu.memref_slice %arg9[%dma_wait3A, %dma_wait3A_28] : memref<128x128xf32, #tpu.memory_space<vmem>> -> memref<128x128xf32, #tpu.memory_space<vmem>>
      %dma_wait3A_30 = arith.constant 0 : i32
      %dma_wait3A_31 = tpu.memref_slice %arg10[%add3A_6, %dma_wait3A_30] : memref<10112x128xf32, #tpu.memory_space<vmem_shared>> -> memref<128x128xf32, #tpu.memory_space<vmem_shared>>
      %dma_wait3A_32 = arith.constant 0 : i32
      %dma_wait3A_33 = tpu.memref_slice %arg10[%add3A_6, %dma_wait3A_32] : memref<10112x128xf32, #tpu.memory_space<vmem_shared>> -> memref<128x128xf32, #tpu.memory_space<vmem_shared>>
      %dma_wait3A_34 = arith.constant 0 : i32
      %dma_wait3A_35 = arith.constant 0 : i32
      %dma_wait3A_36 = tpu.memref_slice %arg9[%dma_wait3A_34, %dma_wait3A_35] : memref<128x128xf32, #tpu.memory_space<vmem>> -> memref<128x128xf32, #tpu.memory_space<vmem>>
      tpu.wait_dma2 semaphore(%run_scoped3A : memref<!tpu.dma_semaphore, #tpu.memory_space<semaphore_mem>>) src(%dma_wait3A_36 : memref<128x128xf32, #tpu.memory_space<vmem>>) dst(%dma_wait3A_33 : memref<128x128xf32, #tpu.memory_space<vmem_shared>>)
      tpu.yield
    }) : () -> ()
    %add3A_7 = arith.constant 256 : i32
    %add3A_8 = arith.addi %mul3A_2, %add3A_7 : i32
    "tpu.region"() ({
      %run_scoped3A = tpu.sem_alloc : memref<!tpu.dma_semaphore, #tpu.memory_space<semaphore_mem>>
      %dma_start3A = arith.constant 0 : i32
      %dma_start3A_19 = arith.constant 0 : i32
      %dma_start3A_20 = tpu.memref_slice %arg9[%dma_start3A, %dma_start3A_19] : memref<128x128xf32, #tpu.memory_space<vmem>> -> memref<128x128xf32, #tpu.memory_space<vmem>>
      %dma_start3A_21 = arith.constant 0 : i32
      %dma_start3A_22 = tpu.memref_slice %arg10[%add3A_8, %dma_start3A_21] : memref<10112x128xf32, #tpu.memory_space<vmem_shared>> -> memref<128x128xf32, #tpu.memory_space<vmem_shared>>
      %dma_start3A_23 = arith.constant 0 : i32
      %dma_start3A_24 = tpu.memref_slice %arg10[%add3A_8, %dma_start3A_23] : memref<10112x128xf32, #tpu.memory_space<vmem_shared>> -> memref<128x128xf32, #tpu.memory_space<vmem_shared>>
      %dma_start3A_25 = arith.constant 0 : i32
      %dma_start3A_26 = arith.constant 0 : i32
      %dma_start3A_27 = tpu.memref_slice %arg9[%dma_start3A_25, %dma_start3A_26] : memref<128x128xf32, #tpu.memory_space<vmem>> -> memref<128x128xf32, #tpu.memory_space<vmem>>
      tpu.enqueue_dma source(%dma_start3A_27 : memref<128x128xf32, #tpu.memory_space<vmem>>) target(%dma_start3A_24 : memref<128x128xf32, #tpu.memory_space<vmem_shared>>) target_semaphore(%run_scoped3A : memref<!tpu.dma_semaphore, #tpu.memory_space<semaphore_mem>>)
      %dma_wait3A = arith.constant 0 : i32
      %dma_wait3A_28 = arith.constant 0 : i32
      %dma_wait3A_29 = tpu.memref_slice %arg9[%dma_wait3A, %dma_wait3A_28] : memref<128x128xf32, #tpu.memory_space<vmem>> -> memref<128x128xf32, #tpu.memory_space<vmem>>
      %dma_wait3A_30 = arith.constant 0 : i32
      %dma_wait3A_31 = tpu.memref_slice %arg10[%add3A_8, %dma_wait3A_30] : memref<10112x128xf32, #tpu.memory_space<vmem_shared>> -> memref<128x128xf32, #tpu.memory_space<vmem_shared>>
      %dma_wait3A_32 = arith.constant 0 : i32
      %dma_wait3A_33 = tpu.memref_slice %arg10[%add3A_8, %dma_wait3A_32] : memref<10112x128xf32, #tpu.memory_space<vmem_shared>> -> memref<128x128xf32, #tpu.memory_space<vmem_shared>>
      %dma_wait3A_34 = arith.constant 0 : i32
      %dma_wait3A_35 = arith.constant 0 : i32
      %dma_wait3A_36 = tpu.memref_slice %arg9[%dma_wait3A_34, %dma_wait3A_35] : memref<128x128xf32, #tpu.memory_space<vmem>> -> memref<128x128xf32, #tpu.memory_space<vmem>>
      tpu.wait_dma2 semaphore(%run_scoped3A : memref<!tpu.dma_semaphore, #tpu.memory_space<semaphore_mem>>) src(%dma_wait3A_36 : memref<128x128xf32, #tpu.memory_space<vmem>>) dst(%dma_wait3A_33 : memref<128x128xf32, #tpu.memory_space<vmem_shared>>)
      tpu.yield
    }) : () -> ()
    %add3A_9 = arith.constant 384 : i32
    %add3A_10 = arith.addi %mul3A_2, %add3A_9 : i32
    "tpu.region"() ({
      %run_scoped3A = tpu.sem_alloc : memref<!tpu.dma_semaphore, #tpu.memory_space<semaphore_mem>>
      %dma_start3A = arith.constant 0 : i32
      %dma_start3A_19 = arith.constant 0 : i32
      %dma_start3A_20 = tpu.memref_slice %arg9[%dma_start3A, %dma_start3A_19] : memref<128x128xf32, #tpu.memory_space<vmem>> -> memref<128x128xf32, #tpu.memory_space<vmem>>
      %dma_start3A_21 = arith.constant 0 : i32
      %dma_start3A_22 = tpu.memref_slice %arg10[%add3A_10, %dma_start3A_21] : memref<10112x128xf32, #tpu.memory_space<vmem_shared>> -> memref<128x128xf32, #tpu.memory_space<vmem_shared>>
      %dma_start3A_23 = arith.constant 0 : i32
      %dma_start3A_24 = tpu.memref_slice %arg10[%add3A_10, %dma_start3A_23] : memref<10112x128xf32, #tpu.memory_space<vmem_shared>> -> memref<128x128xf32, #tpu.memory_space<vmem_shared>>
      %dma_start3A_25 = arith.constant 0 : i32
      %dma_start3A_26 = arith.constant 0 : i32
      %dma_start3A_27 = tpu.memref_slice %arg9[%dma_start3A_25, %dma_start3A_26] : memref<128x128xf32, #tpu.memory_space<vmem>> -> memref<128x128xf32, #tpu.memory_space<vmem>>
      tpu.enqueue_dma source(%dma_start3A_27 : memref<128x128xf32, #tpu.memory_space<vmem>>) target(%dma_start3A_24 : memref<128x128xf32, #tpu.memory_space<vmem_shared>>) target_semaphore(%run_scoped3A : memref<!tpu.dma_semaphore, #tpu.memory_space<semaphore_mem>>)
      %dma_wait3A = arith.constant 0 : i32
      %dma_wait3A_28 = arith.constant 0 : i32
      %dma_wait3A_29 = tpu.memref_slice %arg9[%dma_wait3A, %dma_wait3A_28] : memref<128x128xf32, #tpu.memory_space<vmem>> -> memref<128x128xf32, #tpu.memory_space<vmem>>
      %dma_wait3A_30 = arith.constant 0 : i32
      %dma_wait3A_31 = tpu.memref_slice %arg10[%add3A_10, %dma_wait3A_30] : memref<10112x128xf32, #tpu.memory_space<vmem_shared>> -> memref<128x128xf32, #tpu.memory_space<vmem_shared>>
      %dma_wait3A_32 = arith.constant 0 : i32
      %dma_wait3A_33 = tpu.memref_slice %arg10[%add3A_10, %dma_wait3A_32] : memref<10112x128xf32, #tpu.memory_space<vmem_shared>> -> memref<128x128xf32, #tpu.memory_space<vmem_shared>>
      %dma_wait3A_34 = arith.constant 0 : i32
      %dma_wait3A_35 = arith.constant 0 : i32
      %dma_wait3A_36 = tpu.memref_slice %arg9[%dma_wait3A_34, %dma_wait3A_35] : memref<128x128xf32, #tpu.memory_space<vmem>> -> memref<128x128xf32, #tpu.memory_space<vmem>>
      tpu.wait_dma2 semaphore(%run_scoped3A : memref<!tpu.dma_semaphore, #tpu.memory_space<semaphore_mem>>) src(%dma_wait3A_36 : memref<128x128xf32, #tpu.memory_space<vmem>>) dst(%dma_wait3A_33 : memref<128x128xf32, #tpu.memory_space<vmem_shared>>)
      tpu.yield
    }) : () -> ()
    %add3A_11 = arith.constant 512 : i32
    %add3A_12 = arith.addi %mul3A_2, %add3A_11 : i32
    "tpu.region"() ({
      %run_scoped3A = tpu.sem_alloc : memref<!tpu.dma_semaphore, #tpu.memory_space<semaphore_mem>>
      %dma_start3A = arith.constant 0 : i32
      %dma_start3A_19 = arith.constant 0 : i32
      %dma_start3A_20 = tpu.memref_slice %arg9[%dma_start3A, %dma_start3A_19] : memref<128x128xf32, #tpu.memory_space<vmem>> -> memref<120x128xf32, #tpu.memory_space<vmem>>
      %dma_start3A_21 = arith.constant 0 : i32
      %dma_start3A_22 = tpu.memref_slice %arg10[%add3A_12, %dma_start3A_21] : memref<10112x128xf32, #tpu.memory_space<vmem_shared>> -> memref<120x128xf32, #tpu.memory_space<vmem_shared>>
      %dma_start3A_23 = arith.constant 0 : i32
      %dma_start3A_24 = tpu.memref_slice %arg10[%add3A_12, %dma_start3A_23] : memref<10112x128xf32, #tpu.memory_space<vmem_shared>> -> memref<120x128xf32, #tpu.memory_space<vmem_shared>>
      %dma_start3A_25 = arith.constant 0 : i32
      %dma_start3A_26 = arith.constant 0 : i32
      %dma_start3A_27 = tpu.memref_slice %arg9[%dma_start3A_25, %dma_start3A_26] : memref<128x128xf32, #tpu.memory_space<vmem>> -> memref<120x128xf32, #tpu.memory_space<vmem>>
      tpu.enqueue_dma source(%dma_start3A_27 : memref<120x128xf32, #tpu.memory_space<vmem>>) target(%dma_start3A_24 : memref<120x128xf32, #tpu.memory_space<vmem_shared>>) target_semaphore(%run_scoped3A : memref<!tpu.dma_semaphore, #tpu.memory_space<semaphore_mem>>)
      %dma_wait3A = arith.constant 0 : i32
      %dma_wait3A_28 = arith.constant 0 : i32
      %dma_wait3A_29 = tpu.memref_slice %arg9[%dma_wait3A, %dma_wait3A_28] : memref<128x128xf32, #tpu.memory_space<vmem>> -> memref<120x128xf32, #tpu.memory_space<vmem>>
      %dma_wait3A_30 = arith.constant 0 : i32
      %dma_wait3A_31 = tpu.memref_slice %arg10[%add3A_12, %dma_wait3A_30] : memref<10112x128xf32, #tpu.memory_space<vmem_shared>> -> memref<120x128xf32, #tpu.memory_space<vmem_shared>>
      %dma_wait3A_32 = arith.constant 0 : i32
      %dma_wait3A_33 = tpu.memref_slice %arg10[%add3A_12, %dma_wait3A_32] : memref<10112x128xf32, #tpu.memory_space<vmem_shared>> -> memref<120x128xf32, #tpu.memory_space<vmem_shared>>
      %dma_wait3A_34 = arith.constant 0 : i32
      %dma_wait3A_35 = arith.constant 0 : i32
      %dma_wait3A_36 = tpu.memref_slice %arg9[%dma_wait3A_34, %dma_wait3A_35] : memref<128x128xf32, #tpu.memory_space<vmem>> -> memref<120x128xf32, #tpu.memory_space<vmem>>
      tpu.wait_dma2 semaphore(%run_scoped3A : memref<!tpu.dma_semaphore, #tpu.memory_space<semaphore_mem>>) src(%dma_wait3A_36 : memref<120x128xf32, #tpu.memory_space<vmem>>) dst(%dma_wait3A_33 : memref<120x128xf32, #tpu.memory_space<vmem_shared>>)
      tpu.yield
    }) : () -> ()
    %barrier3A = arith.constant 0 : index
    tpu.barrier barrier_id(%barrier3A)
    "tpu.region"() ({
      %run_scoped3A = tpu.sem_alloc : memref<!tpu.dma_semaphore, #tpu.memory_space<semaphore_mem>>
      %dma_start3A = arith.constant 0 : i32
      %dma_start3A_19 = arith.constant 0 : i32
      %dma_start3A_20 = tpu.memref_slice %arg3[%add3A, %dma_start3A, %dma_start3A_19] : memref<32x79x128xi32, #tpu.memory_space<hbm>> -> memref<1x79x128xi32, #tpu.memory_space<hbm>>
      %dma_start3A_21 = tpu.memref_squeeze %dma_start3A_20 : memref<1x79x128xi32, #tpu.memory_space<hbm>> -> memref<79x128xi32, #tpu.memory_space<hbm>>
      %dma_start3A_22 = arith.constant 0 : i32
      %dma_start3A_23 = arith.constant 0 : i32
      %dma_start3A_24 = tpu.memref_slice %arg3[%add3A, %dma_start3A_22, %dma_start3A_23] : memref<32x79x128xi32, #tpu.memory_space<hbm>> -> memref<1x79x128xi32, #tpu.memory_space<hbm>>
      %dma_start3A_25 = tpu.memref_squeeze %dma_start3A_24 : memref<1x79x128xi32, #tpu.memory_space<hbm>> -> memref<79x128xi32, #tpu.memory_space<hbm>>
      tpu.enqueue_dma source(%dma_start3A_25 : memref<79x128xi32, #tpu.memory_space<hbm>>) target(%arg7 : memref<79x128xi32, #tpu.memory_space<vmem>>) target_semaphore(%run_scoped3A : memref<!tpu.dma_semaphore, #tpu.memory_space<semaphore_mem>>)
      %dma_wait3A = arith.constant 0 : i32
      %dma_wait3A_26 = arith.constant 0 : i32
      %dma_wait3A_27 = tpu.memref_slice %arg3[%add3A, %dma_wait3A, %dma_wait3A_26] : memref<32x79x128xi32, #tpu.memory_space<hbm>> -> memref<1x79x128xi32, #tpu.memory_space<hbm>>
      %dma_wait3A_28 = tpu.memref_squeeze %dma_wait3A_27 : memref<1x79x128xi32, #tpu.memory_space<hbm>> -> memref<79x128xi32, #tpu.memory_space<hbm>>
      %dma_wait3A_29 = arith.constant 0 : i32
      %dma_wait3A_30 = arith.constant 0 : i32
      %dma_wait3A_31 = tpu.memref_slice %arg3[%add3A, %dma_wait3A_29, %dma_wait3A_30] : memref<32x79x128xi32, #tpu.memory_space<hbm>> -> memref<1x79x128xi32, #tpu.memory_space<hbm>>
      %dma_wait3A_32 = tpu.memref_squeeze %dma_wait3A_31 : memref<1x79x128xi32, #tpu.memory_space<hbm>> -> memref<79x128xi32, #tpu.memory_space<hbm>>
      tpu.wait_dma2 semaphore(%run_scoped3A : memref<!tpu.dma_semaphore, #tpu.memory_space<semaphore_mem>>) src(%dma_wait3A_32 : memref<79x128xi32, #tpu.memory_space<hbm>>) dst(%arg7 : memref<79x128xi32, #tpu.memory_space<vmem>>)
      tpu.yield
    }) : () -> ()
    "tpu.region"() ({
      %run_scoped3A = tpu.sem_alloc : memref<!tpu.dma_semaphore, #tpu.memory_space<semaphore_mem>>
      %dma_start3A = arith.constant 0 : i32
      %dma_start3A_19 = arith.constant 0 : i32
      %dma_start3A_20 = tpu.memref_slice %arg4[%add3A, %dma_start3A, %dma_start3A_19] : memref<32x79x128xi32, #tpu.memory_space<hbm>> -> memref<1x79x128xi32, #tpu.memory_space<hbm>>
      %dma_start3A_21 = tpu.memref_squeeze %dma_start3A_20 : memref<1x79x128xi32, #tpu.memory_space<hbm>> -> memref<79x128xi32, #tpu.memory_space<hbm>>
      %dma_start3A_22 = arith.constant 0 : i32
      %dma_start3A_23 = arith.constant 0 : i32
      %dma_start3A_24 = tpu.memref_slice %arg4[%add3A, %dma_start3A_22, %dma_start3A_23] : memref<32x79x128xi32, #tpu.memory_space<hbm>> -> memref<1x79x128xi32, #tpu.memory_space<hbm>>
      %dma_start3A_25 = tpu.memref_squeeze %dma_start3A_24 : memref<1x79x128xi32, #tpu.memory_space<hbm>> -> memref<79x128xi32, #tpu.memory_space<hbm>>
      tpu.enqueue_dma source(%dma_start3A_25 : memref<79x128xi32, #tpu.memory_space<hbm>>) target(%arg8 : memref<79x128xi32, #tpu.memory_space<vmem>>) target_semaphore(%run_scoped3A : memref<!tpu.dma_semaphore, #tpu.memory_space<semaphore_mem>>)
      %dma_wait3A = arith.constant 0 : i32
      %dma_wait3A_26 = arith.constant 0 : i32
      %dma_wait3A_27 = tpu.memref_slice %arg4[%add3A, %dma_wait3A, %dma_wait3A_26] : memref<32x79x128xi32, #tpu.memory_space<hbm>> -> memref<1x79x128xi32, #tpu.memory_space<hbm>>
      %dma_wait3A_28 = tpu.memref_squeeze %dma_wait3A_27 : memref<1x79x128xi32, #tpu.memory_space<hbm>> -> memref<79x128xi32, #tpu.memory_space<hbm>>
      %dma_wait3A_29 = arith.constant 0 : i32
      %dma_wait3A_30 = arith.constant 0 : i32
      %dma_wait3A_31 = tpu.memref_slice %arg4[%add3A, %dma_wait3A_29, %dma_wait3A_30] : memref<32x79x128xi32, #tpu.memory_space<hbm>> -> memref<1x79x128xi32, #tpu.memory_space<hbm>>
      %dma_wait3A_32 = tpu.memref_squeeze %dma_wait3A_31 : memref<1x79x128xi32, #tpu.memory_space<hbm>> -> memref<79x128xi32, #tpu.memory_space<hbm>>
      tpu.wait_dma2 semaphore(%run_scoped3A : memref<!tpu.dma_semaphore, #tpu.memory_space<semaphore_mem>>) src(%dma_wait3A_32 : memref<79x128xi32, #tpu.memory_space<hbm>>) dst(%arg8 : memref<79x128xi32, #tpu.memory_space<vmem>>)
      tpu.yield
    }) : () -> ()
    %scan3A = arith.constant 0 : i32
    %scan3A_13 = arith.constant 0 : i32
    %scan3A_14 = arith.constant 79 : i32
    %scan3A_15 = arith.addi %scan3A_13, %scan3A_14 : i32
    %scan3A_16 = arith.constant 1 : i32
    scf.for %scan3A_19 = %scan3A_13 to %scan3A_15 step %scan3A_16  : i32 {
      %dma_start3A = arith.constant 0 : i32
      %dma_start3A_20 = tpu.memref_slice %arg7[%scan3A_19, %dma_start3A] : memref<79x128xi32, #tpu.memory_space<vmem>> -> memref<1x128xi32, #tpu.memory_space<vmem>>
      %dma_start3A_21 = tpu.memref_squeeze %dma_start3A_20 : memref<1x128xi32, #tpu.memory_space<vmem>> -> memref<128xi32, #tpu.memory_space<vmem>>
      %dma_start3A_22 = arith.constant 0 : i32
      %dma_start3A_23 = arith.constant 0 : i32
      %dma_start3A_24 = tpu.memref_slice %arg2[%dma_start3A_22, %dma_start3A_23] : memref<10000x128xf32, #tpu.memory_space<hbm>> -> memref<10000x128xf32, #tpu.memory_space<hbm>>
      tpu.enqueue_indirect_dma source(%dma_start3A_24 : memref<10000x128xf32, #tpu.memory_space<hbm>>) target(%arg9 : memref<128x128xf32, #tpu.memory_space<vmem>>) offsets(%dma_start3A_21 : memref<128xi32, #tpu.memory_space<vmem>>) semaphore(%arg11 : memref<!tpu.dma_semaphore, #tpu.memory_space<semaphore_mem>>)
      %dma_wait3A = arith.constant 0 : i32
      %dma_wait3A_25 = tpu.memref_slice %arg7[%scan3A_19, %dma_wait3A] : memref<79x128xi32, #tpu.memory_space<vmem>> -> memref<1x128xi32, #tpu.memory_space<vmem>>
      %dma_wait3A_26 = tpu.memref_squeeze %dma_wait3A_25 : memref<1x128xi32, #tpu.memory_space<vmem>> -> memref<128xi32, #tpu.memory_space<vmem>>
      %dma_wait3A_27 = arith.constant 0 : i32
      %dma_wait3A_28 = arith.constant 0 : i32
      %dma_wait3A_29 = tpu.memref_slice %arg2[%dma_wait3A_27, %dma_wait3A_28] : memref<10000x128xf32, #tpu.memory_space<hbm>> -> memref<10000x128xf32, #tpu.memory_space<hbm>>
      tpu.wait_indirect_dma semaphore(%arg11 : memref<!tpu.dma_semaphore, #tpu.memory_space<semaphore_mem>>) src(%dma_wait3A_29 : memref<10000x128xf32, #tpu.memory_space<hbm>>) dst(%arg9 : memref<128x128xf32, #tpu.memory_space<vmem>>)
      "tpu.region"() ({
        %run_scoped3A = tpu.sem_alloc : memref<!tpu.dma_semaphore, #tpu.memory_space<semaphore_mem>>
        %dma_start3A_30 = arith.constant 0 : i32
        %dma_start3A_31 = tpu.memref_slice %arg8[%scan3A_19, %dma_start3A_30] : memref<79x128xi32, #tpu.memory_space<vmem>> -> memref<1x128xi32, #tpu.memory_space<vmem>>
        %dma_start3A_32 = tpu.memref_squeeze %dma_start3A_31 : memref<1x128xi32, #tpu.memory_space<vmem>> -> memref<128xi32, #tpu.memory_space<vmem>>
        %dma_start3A_33 = arith.constant 0 : i32
        %dma_start3A_34 = arith.constant 0 : i32
        %dma_start3A_35 = tpu.memref_slice %arg10[%dma_start3A_33, %dma_start3A_34] : memref<10112x128xf32, #tpu.memory_space<vmem_shared>> -> memref<10112x128xf32, #tpu.memory_space<vmem_shared>>
        tpu.enqueue_indirect_dma source(%arg9 : memref<128x128xf32, #tpu.memory_space<vmem>>) target(%dma_start3A_35 : memref<10112x128xf32, #tpu.memory_space<vmem_shared>>) offsets(%dma_start3A_32 : memref<128xi32, #tpu.memory_space<vmem>>) semaphore(%run_scoped3A : memref<!tpu.dma_semaphore, #tpu.memory_space<semaphore_mem>>) {add = true}
        %dma_wait3A_36 = arith.constant 0 : i32
        %dma_wait3A_37 = tpu.memref_slice %arg8[%scan3A_19, %dma_wait3A_36] : memref<79x128xi32, #tpu.memory_space<vmem>> -> memref<1x128xi32, #tpu.memory_space<vmem>>
        %dma_wait3A_38 = tpu.memref_squeeze %dma_wait3A_37 : memref<1x128xi32, #tpu.memory_space<vmem>> -> memref<128xi32, #tpu.memory_space<vmem>>
        %dma_wait3A_39 = arith.constant 0 : i32
        %dma_wait3A_40 = arith.constant 0 : i32
        %dma_wait3A_41 = tpu.memref_slice %arg10[%dma_wait3A_39, %dma_wait3A_40] : memref<10112x128xf32, #tpu.memory_space<vmem_shared>> -> memref<10112x128xf32, #tpu.memory_space<vmem_shared>>
        tpu.wait_indirect_dma semaphore(%run_scoped3A : memref<!tpu.dma_semaphore, #tpu.memory_space<semaphore_mem>>) src(%arg9 : memref<128x128xf32, #tpu.memory_space<vmem>>) dst(%dma_wait3A_41 : memref<10112x128xf32, #tpu.memory_space<vmem_shared>>)
        tpu.yield
      }) : () -> ()
    }
    %scan3A_17 = arith.constant 79 : i32
    %barrier3A_18 = arith.constant 0 : index
    tpu.barrier barrier_id(%barrier3A_18)
    "tpu.region"() ({
      %run_scoped3A = tpu.sem_alloc : memref<!tpu.dma_semaphore, #tpu.memory_space<semaphore_mem>>
      %dma_start3A = arith.constant 0 : i32
      %dma_start3A_19 = arith.constant 0 : i32
      %dma_start3A_20 = tpu.memref_slice %arg6[%arg0, %dma_start3A, %dma_start3A_19] : memref<2x10112x128xf32, #tpu.memory_space<hbm>> -> memref<1x10112x128xf32, #tpu.memory_space<hbm>>
      %dma_start3A_21 = tpu.memref_squeeze %dma_start3A_20 : memref<1x10112x128xf32, #tpu.memory_space<hbm>> -> memref<10112x128xf32, #tpu.memory_space<hbm>>
      %dma_start3A_22 = arith.constant 0 : i32
      %dma_start3A_23 = tpu.memref_slice %dma_start3A_21[%mul3A_2, %dma_start3A_22] : memref<10112x128xf32, #tpu.memory_space<hbm>> -> memref<632x128xf32, #tpu.memory_space<hbm>>
      %dma_start3A_24 = arith.constant 0 : i32
      %dma_start3A_25 = tpu.memref_slice %arg10[%mul3A_2, %dma_start3A_24] : memref<10112x128xf32, #tpu.memory_space<vmem_shared>> -> memref<632x128xf32, #tpu.memory_space<vmem_shared>>
      tpu.enqueue_dma source(%dma_start3A_25 : memref<632x128xf32, #tpu.memory_space<vmem_shared>>) target(%dma_start3A_23 : memref<632x128xf32, #tpu.memory_space<hbm>>) target_semaphore(%run_scoped3A : memref<!tpu.dma_semaphore, #tpu.memory_space<semaphore_mem>>)
      %dma_wait3A = arith.constant 0 : i32
      %dma_wait3A_26 = arith.constant 0 : i32
      %dma_wait3A_27 = tpu.memref_slice %arg6[%arg0, %dma_wait3A, %dma_wait3A_26] : memref<2x10112x128xf32, #tpu.memory_space<hbm>> -> memref<1x10112x128xf32, #tpu.memory_space<hbm>>
      %dma_wait3A_28 = tpu.memref_squeeze %dma_wait3A_27 : memref<1x10112x128xf32, #tpu.memory_space<hbm>> -> memref<10112x128xf32, #tpu.memory_space<hbm>>
      %dma_wait3A_29 = arith.constant 0 : i32
      %dma_wait3A_30 = tpu.memref_slice %dma_wait3A_28[%mul3A_2, %dma_wait3A_29] : memref<10112x128xf32, #tpu.memory_space<hbm>> -> memref<632x128xf32, #tpu.memory_space<hbm>>
      %dma_wait3A_31 = arith.constant 0 : i32
      %dma_wait3A_32 = tpu.memref_slice %arg10[%mul3A_2, %dma_wait3A_31] : memref<10112x128xf32, #tpu.memory_space<vmem_shared>> -> memref<632x128xf32, #tpu.memory_space<vmem_shared>>
      tpu.wait_dma2 semaphore(%run_scoped3A : memref<!tpu.dma_semaphore, #tpu.memory_space<semaphore_mem>>) src(%dma_wait3A_32 : memref<632x128xf32, #tpu.memory_space<vmem_shared>>) dst(%dma_wait3A_30 : memref<632x128xf32, #tpu.memory_space<hbm>>)
      tpu.yield
    }) : () -> ()
    return
  }
}

#map = affine_map<(d0, d1) -> (0, 0, 0)>
#map1 = affine_map<(d0, d1) -> (0, 0)>
module attributes {stable_mosaic.version = 14 : i64} {
  func.func @_sc_deg(%arg0: i32, %arg1: i32, %arg2: memref<32x79x128xi32, #tpu.memory_space<hbm>>, %arg3: memref<128x128xf32, #tpu.memory_space<hbm>>, %arg4: memref<128x128xf32, #tpu.memory_space<hbm>>, %arg5: memref<2x10112x128xf32, #tpu.memory_space<hbm>>, %arg6: memref<79x128xi32, #tpu.memory_space<vmem>>, %arg7: memref<128x128xf32, #tpu.memory_space<vmem>>, %arg8: memref<10112x128xf32, #tpu.memory_space<vmem_shared>>) attributes {dimension_semantics = [#tpu.dimension_semantics<core_parallel>, #tpu.dimension_semantics<subcore_parallel>], iteration_bounds = array<i64: 2, 16>, scalar_prefetch = 0 : i64, scratch_operands = 3 : i64, tpu.core_type = #tpu.core_type<sc_vector_subcore>, window_params = [{transform_indices = #map}, {transform_indices = #map1}, {transform_indices = #map1}, {transform_indices = #map}]} {
    %mul3A = arith.constant 2 : i32
    %mul3A_0 = arith.muli %arg1, %mul3A : i32
    %add3A = arith.addi %mul3A_0, %arg0 : i32
    "tpu.region"() ({
      %run_scoped3A = tpu.sem_alloc : memref<!tpu.dma_semaphore, #tpu.memory_space<semaphore_mem>>
      tpu.enqueue_dma source(%arg3 : memref<128x128xf32, #tpu.memory_space<hbm>>) target(%arg7 : memref<128x128xf32, #tpu.memory_space<vmem>>) target_semaphore(%run_scoped3A : memref<!tpu.dma_semaphore, #tpu.memory_space<semaphore_mem>>)
      tpu.wait_dma2 semaphore(%run_scoped3A : memref<!tpu.dma_semaphore, #tpu.memory_space<semaphore_mem>>) src(%arg3 : memref<128x128xf32, #tpu.memory_space<hbm>>) dst(%arg7 : memref<128x128xf32, #tpu.memory_space<vmem>>)
      tpu.yield
    }) : () -> ()
    %mul3A_1 = arith.constant 632 : i32
    %mul3A_2 = arith.muli %arg1, %mul3A_1 : i32
    %add3A_3 = arith.constant 0 : i32
    %add3A_4 = arith.addi %mul3A_2, %add3A_3 : i32
    "tpu.region"() ({
      %run_scoped3A = tpu.sem_alloc : memref<!tpu.dma_semaphore, #tpu.memory_space<semaphore_mem>>
      %dma_start3A = arith.constant 0 : i32
      %dma_start3A_19 = arith.constant 0 : i32
      %dma_start3A_20 = tpu.memref_slice %arg7[%dma_start3A, %dma_start3A_19] : memref<128x128xf32, #tpu.memory_space<vmem>> -> memref<128x128xf32, #tpu.memory_space<vmem>>
      %dma_start3A_21 = arith.constant 0 : i32
      %dma_start3A_22 = tpu.memref_slice %arg8[%add3A_4, %dma_start3A_21] : memref<10112x128xf32, #tpu.memory_space<vmem_shared>> -> memref<128x128xf32, #tpu.memory_space<vmem_shared>>
      %dma_start3A_23 = arith.constant 0 : i32
      %dma_start3A_24 = tpu.memref_slice %arg8[%add3A_4, %dma_start3A_23] : memref<10112x128xf32, #tpu.memory_space<vmem_shared>> -> memref<128x128xf32, #tpu.memory_space<vmem_shared>>
      %dma_start3A_25 = arith.constant 0 : i32
      %dma_start3A_26 = arith.constant 0 : i32
      %dma_start3A_27 = tpu.memref_slice %arg7[%dma_start3A_25, %dma_start3A_26] : memref<128x128xf32, #tpu.memory_space<vmem>> -> memref<128x128xf32, #tpu.memory_space<vmem>>
      tpu.enqueue_dma source(%dma_start3A_27 : memref<128x128xf32, #tpu.memory_space<vmem>>) target(%dma_start3A_24 : memref<128x128xf32, #tpu.memory_space<vmem_shared>>) target_semaphore(%run_scoped3A : memref<!tpu.dma_semaphore, #tpu.memory_space<semaphore_mem>>)
      %dma_wait3A = arith.constant 0 : i32
      %dma_wait3A_28 = arith.constant 0 : i32
      %dma_wait3A_29 = tpu.memref_slice %arg7[%dma_wait3A, %dma_wait3A_28] : memref<128x128xf32, #tpu.memory_space<vmem>> -> memref<128x128xf32, #tpu.memory_space<vmem>>
      %dma_wait3A_30 = arith.constant 0 : i32
      %dma_wait3A_31 = tpu.memref_slice %arg8[%add3A_4, %dma_wait3A_30] : memref<10112x128xf32, #tpu.memory_space<vmem_shared>> -> memref<128x128xf32, #tpu.memory_space<vmem_shared>>
      %dma_wait3A_32 = arith.constant 0 : i32
      %dma_wait3A_33 = tpu.memref_slice %arg8[%add3A_4, %dma_wait3A_32] : memref<10112x128xf32, #tpu.memory_space<vmem_shared>> -> memref<128x128xf32, #tpu.memory_space<vmem_shared>>
      %dma_wait3A_34 = arith.constant 0 : i32
      %dma_wait3A_35 = arith.constant 0 : i32
      %dma_wait3A_36 = tpu.memref_slice %arg7[%dma_wait3A_34, %dma_wait3A_35] : memref<128x128xf32, #tpu.memory_space<vmem>> -> memref<128x128xf32, #tpu.memory_space<vmem>>
      tpu.wait_dma2 semaphore(%run_scoped3A : memref<!tpu.dma_semaphore, #tpu.memory_space<semaphore_mem>>) src(%dma_wait3A_36 : memref<128x128xf32, #tpu.memory_space<vmem>>) dst(%dma_wait3A_33 : memref<128x128xf32, #tpu.memory_space<vmem_shared>>)
      tpu.yield
    }) : () -> ()
    %add3A_5 = arith.constant 128 : i32
    %add3A_6 = arith.addi %mul3A_2, %add3A_5 : i32
    "tpu.region"() ({
      %run_scoped3A = tpu.sem_alloc : memref<!tpu.dma_semaphore, #tpu.memory_space<semaphore_mem>>
      %dma_start3A = arith.constant 0 : i32
      %dma_start3A_19 = arith.constant 0 : i32
      %dma_start3A_20 = tpu.memref_slice %arg7[%dma_start3A, %dma_start3A_19] : memref<128x128xf32, #tpu.memory_space<vmem>> -> memref<128x128xf32, #tpu.memory_space<vmem>>
      %dma_start3A_21 = arith.constant 0 : i32
      %dma_start3A_22 = tpu.memref_slice %arg8[%add3A_6, %dma_start3A_21] : memref<10112x128xf32, #tpu.memory_space<vmem_shared>> -> memref<128x128xf32, #tpu.memory_space<vmem_shared>>
      %dma_start3A_23 = arith.constant 0 : i32
      %dma_start3A_24 = tpu.memref_slice %arg8[%add3A_6, %dma_start3A_23] : memref<10112x128xf32, #tpu.memory_space<vmem_shared>> -> memref<128x128xf32, #tpu.memory_space<vmem_shared>>
      %dma_start3A_25 = arith.constant 0 : i32
      %dma_start3A_26 = arith.constant 0 : i32
      %dma_start3A_27 = tpu.memref_slice %arg7[%dma_start3A_25, %dma_start3A_26] : memref<128x128xf32, #tpu.memory_space<vmem>> -> memref<128x128xf32, #tpu.memory_space<vmem>>
      tpu.enqueue_dma source(%dma_start3A_27 : memref<128x128xf32, #tpu.memory_space<vmem>>) target(%dma_start3A_24 : memref<128x128xf32, #tpu.memory_space<vmem_shared>>) target_semaphore(%run_scoped3A : memref<!tpu.dma_semaphore, #tpu.memory_space<semaphore_mem>>)
      %dma_wait3A = arith.constant 0 : i32
      %dma_wait3A_28 = arith.constant 0 : i32
      %dma_wait3A_29 = tpu.memref_slice %arg7[%dma_wait3A, %dma_wait3A_28] : memref<128x128xf32, #tpu.memory_space<vmem>> -> memref<128x128xf32, #tpu.memory_space<vmem>>
      %dma_wait3A_30 = arith.constant 0 : i32
      %dma_wait3A_31 = tpu.memref_slice %arg8[%add3A_6, %dma_wait3A_30] : memref<10112x128xf32, #tpu.memory_space<vmem_shared>> -> memref<128x128xf32, #tpu.memory_space<vmem_shared>>
      %dma_wait3A_32 = arith.constant 0 : i32
      %dma_wait3A_33 = tpu.memref_slice %arg8[%add3A_6, %dma_wait3A_32] : memref<10112x128xf32, #tpu.memory_space<vmem_shared>> -> memref<128x128xf32, #tpu.memory_space<vmem_shared>>
      %dma_wait3A_34 = arith.constant 0 : i32
      %dma_wait3A_35 = arith.constant 0 : i32
      %dma_wait3A_36 = tpu.memref_slice %arg7[%dma_wait3A_34, %dma_wait3A_35] : memref<128x128xf32, #tpu.memory_space<vmem>> -> memref<128x128xf32, #tpu.memory_space<vmem>>
      tpu.wait_dma2 semaphore(%run_scoped3A : memref<!tpu.dma_semaphore, #tpu.memory_space<semaphore_mem>>) src(%dma_wait3A_36 : memref<128x128xf32, #tpu.memory_space<vmem>>) dst(%dma_wait3A_33 : memref<128x128xf32, #tpu.memory_space<vmem_shared>>)
      tpu.yield
    }) : () -> ()
    %add3A_7 = arith.constant 256 : i32
    %add3A_8 = arith.addi %mul3A_2, %add3A_7 : i32
    "tpu.region"() ({
      %run_scoped3A = tpu.sem_alloc : memref<!tpu.dma_semaphore, #tpu.memory_space<semaphore_mem>>
      %dma_start3A = arith.constant 0 : i32
      %dma_start3A_19 = arith.constant 0 : i32
      %dma_start3A_20 = tpu.memref_slice %arg7[%dma_start3A, %dma_start3A_19] : memref<128x128xf32, #tpu.memory_space<vmem>> -> memref<128x128xf32, #tpu.memory_space<vmem>>
      %dma_start3A_21 = arith.constant 0 : i32
      %dma_start3A_22 = tpu.memref_slice %arg8[%add3A_8, %dma_start3A_21] : memref<10112x128xf32, #tpu.memory_space<vmem_shared>> -> memref<128x128xf32, #tpu.memory_space<vmem_shared>>
      %dma_start3A_23 = arith.constant 0 : i32
      %dma_start3A_24 = tpu.memref_slice %arg8[%add3A_8, %dma_start3A_23] : memref<10112x128xf32, #tpu.memory_space<vmem_shared>> -> memref<128x128xf32, #tpu.memory_space<vmem_shared>>
      %dma_start3A_25 = arith.constant 0 : i32
      %dma_start3A_26 = arith.constant 0 : i32
      %dma_start3A_27 = tpu.memref_slice %arg7[%dma_start3A_25, %dma_start3A_26] : memref<128x128xf32, #tpu.memory_space<vmem>> -> memref<128x128xf32, #tpu.memory_space<vmem>>
      tpu.enqueue_dma source(%dma_start3A_27 : memref<128x128xf32, #tpu.memory_space<vmem>>) target(%dma_start3A_24 : memref<128x128xf32, #tpu.memory_space<vmem_shared>>) target_semaphore(%run_scoped3A : memref<!tpu.dma_semaphore, #tpu.memory_space<semaphore_mem>>)
      %dma_wait3A = arith.constant 0 : i32
      %dma_wait3A_28 = arith.constant 0 : i32
      %dma_wait3A_29 = tpu.memref_slice %arg7[%dma_wait3A, %dma_wait3A_28] : memref<128x128xf32, #tpu.memory_space<vmem>> -> memref<128x128xf32, #tpu.memory_space<vmem>>
      %dma_wait3A_30 = arith.constant 0 : i32
      %dma_wait3A_31 = tpu.memref_slice %arg8[%add3A_8, %dma_wait3A_30] : memref<10112x128xf32, #tpu.memory_space<vmem_shared>> -> memref<128x128xf32, #tpu.memory_space<vmem_shared>>
      %dma_wait3A_32 = arith.constant 0 : i32
      %dma_wait3A_33 = tpu.memref_slice %arg8[%add3A_8, %dma_wait3A_32] : memref<10112x128xf32, #tpu.memory_space<vmem_shared>> -> memref<128x128xf32, #tpu.memory_space<vmem_shared>>
      %dma_wait3A_34 = arith.constant 0 : i32
      %dma_wait3A_35 = arith.constant 0 : i32
      %dma_wait3A_36 = tpu.memref_slice %arg7[%dma_wait3A_34, %dma_wait3A_35] : memref<128x128xf32, #tpu.memory_space<vmem>> -> memref<128x128xf32, #tpu.memory_space<vmem>>
      tpu.wait_dma2 semaphore(%run_scoped3A : memref<!tpu.dma_semaphore, #tpu.memory_space<semaphore_mem>>) src(%dma_wait3A_36 : memref<128x128xf32, #tpu.memory_space<vmem>>) dst(%dma_wait3A_33 : memref<128x128xf32, #tpu.memory_space<vmem_shared>>)
      tpu.yield
    }) : () -> ()
    %add3A_9 = arith.constant 384 : i32
    %add3A_10 = arith.addi %mul3A_2, %add3A_9 : i32
    "tpu.region"() ({
      %run_scoped3A = tpu.sem_alloc : memref<!tpu.dma_semaphore, #tpu.memory_space<semaphore_mem>>
      %dma_start3A = arith.constant 0 : i32
      %dma_start3A_19 = arith.constant 0 : i32
      %dma_start3A_20 = tpu.memref_slice %arg7[%dma_start3A, %dma_start3A_19] : memref<128x128xf32, #tpu.memory_space<vmem>> -> memref<128x128xf32, #tpu.memory_space<vmem>>
      %dma_start3A_21 = arith.constant 0 : i32
      %dma_start3A_22 = tpu.memref_slice %arg8[%add3A_10, %dma_start3A_21] : memref<10112x128xf32, #tpu.memory_space<vmem_shared>> -> memref<128x128xf32, #tpu.memory_space<vmem_shared>>
      %dma_start3A_23 = arith.constant 0 : i32
      %dma_start3A_24 = tpu.memref_slice %arg8[%add3A_10, %dma_start3A_23] : memref<10112x128xf32, #tpu.memory_space<vmem_shared>> -> memref<128x128xf32, #tpu.memory_space<vmem_shared>>
      %dma_start3A_25 = arith.constant 0 : i32
      %dma_start3A_26 = arith.constant 0 : i32
      %dma_start3A_27 = tpu.memref_slice %arg7[%dma_start3A_25, %dma_start3A_26] : memref<128x128xf32, #tpu.memory_space<vmem>> -> memref<128x128xf32, #tpu.memory_space<vmem>>
      tpu.enqueue_dma source(%dma_start3A_27 : memref<128x128xf32, #tpu.memory_space<vmem>>) target(%dma_start3A_24 : memref<128x128xf32, #tpu.memory_space<vmem_shared>>) target_semaphore(%run_scoped3A : memref<!tpu.dma_semaphore, #tpu.memory_space<semaphore_mem>>)
      %dma_wait3A = arith.constant 0 : i32
      %dma_wait3A_28 = arith.constant 0 : i32
      %dma_wait3A_29 = tpu.memref_slice %arg7[%dma_wait3A, %dma_wait3A_28] : memref<128x128xf32, #tpu.memory_space<vmem>> -> memref<128x128xf32, #tpu.memory_space<vmem>>
      %dma_wait3A_30 = arith.constant 0 : i32
      %dma_wait3A_31 = tpu.memref_slice %arg8[%add3A_10, %dma_wait3A_30] : memref<10112x128xf32, #tpu.memory_space<vmem_shared>> -> memref<128x128xf32, #tpu.memory_space<vmem_shared>>
      %dma_wait3A_32 = arith.constant 0 : i32
      %dma_wait3A_33 = tpu.memref_slice %arg8[%add3A_10, %dma_wait3A_32] : memref<10112x128xf32, #tpu.memory_space<vmem_shared>> -> memref<128x128xf32, #tpu.memory_space<vmem_shared>>
      %dma_wait3A_34 = arith.constant 0 : i32
      %dma_wait3A_35 = arith.constant 0 : i32
      %dma_wait3A_36 = tpu.memref_slice %arg7[%dma_wait3A_34, %dma_wait3A_35] : memref<128x128xf32, #tpu.memory_space<vmem>> -> memref<128x128xf32, #tpu.memory_space<vmem>>
      tpu.wait_dma2 semaphore(%run_scoped3A : memref<!tpu.dma_semaphore, #tpu.memory_space<semaphore_mem>>) src(%dma_wait3A_36 : memref<128x128xf32, #tpu.memory_space<vmem>>) dst(%dma_wait3A_33 : memref<128x128xf32, #tpu.memory_space<vmem_shared>>)
      tpu.yield
    }) : () -> ()
    %add3A_11 = arith.constant 512 : i32
    %add3A_12 = arith.addi %mul3A_2, %add3A_11 : i32
    "tpu.region"() ({
      %run_scoped3A = tpu.sem_alloc : memref<!tpu.dma_semaphore, #tpu.memory_space<semaphore_mem>>
      %dma_start3A = arith.constant 0 : i32
      %dma_start3A_19 = arith.constant 0 : i32
      %dma_start3A_20 = tpu.memref_slice %arg7[%dma_start3A, %dma_start3A_19] : memref<128x128xf32, #tpu.memory_space<vmem>> -> memref<120x128xf32, #tpu.memory_space<vmem>>
      %dma_start3A_21 = arith.constant 0 : i32
      %dma_start3A_22 = tpu.memref_slice %arg8[%add3A_12, %dma_start3A_21] : memref<10112x128xf32, #tpu.memory_space<vmem_shared>> -> memref<120x128xf32, #tpu.memory_space<vmem_shared>>
      %dma_start3A_23 = arith.constant 0 : i32
      %dma_start3A_24 = tpu.memref_slice %arg8[%add3A_12, %dma_start3A_23] : memref<10112x128xf32, #tpu.memory_space<vmem_shared>> -> memref<120x128xf32, #tpu.memory_space<vmem_shared>>
      %dma_start3A_25 = arith.constant 0 : i32
      %dma_start3A_26 = arith.constant 0 : i32
      %dma_start3A_27 = tpu.memref_slice %arg7[%dma_start3A_25, %dma_start3A_26] : memref<128x128xf32, #tpu.memory_space<vmem>> -> memref<120x128xf32, #tpu.memory_space<vmem>>
      tpu.enqueue_dma source(%dma_start3A_27 : memref<120x128xf32, #tpu.memory_space<vmem>>) target(%dma_start3A_24 : memref<120x128xf32, #tpu.memory_space<vmem_shared>>) target_semaphore(%run_scoped3A : memref<!tpu.dma_semaphore, #tpu.memory_space<semaphore_mem>>)
      %dma_wait3A = arith.constant 0 : i32
      %dma_wait3A_28 = arith.constant 0 : i32
      %dma_wait3A_29 = tpu.memref_slice %arg7[%dma_wait3A, %dma_wait3A_28] : memref<128x128xf32, #tpu.memory_space<vmem>> -> memref<120x128xf32, #tpu.memory_space<vmem>>
      %dma_wait3A_30 = arith.constant 0 : i32
      %dma_wait3A_31 = tpu.memref_slice %arg8[%add3A_12, %dma_wait3A_30] : memref<10112x128xf32, #tpu.memory_space<vmem_shared>> -> memref<120x128xf32, #tpu.memory_space<vmem_shared>>
      %dma_wait3A_32 = arith.constant 0 : i32
      %dma_wait3A_33 = tpu.memref_slice %arg8[%add3A_12, %dma_wait3A_32] : memref<10112x128xf32, #tpu.memory_space<vmem_shared>> -> memref<120x128xf32, #tpu.memory_space<vmem_shared>>
      %dma_wait3A_34 = arith.constant 0 : i32
      %dma_wait3A_35 = arith.constant 0 : i32
      %dma_wait3A_36 = tpu.memref_slice %arg7[%dma_wait3A_34, %dma_wait3A_35] : memref<128x128xf32, #tpu.memory_space<vmem>> -> memref<120x128xf32, #tpu.memory_space<vmem>>
      tpu.wait_dma2 semaphore(%run_scoped3A : memref<!tpu.dma_semaphore, #tpu.memory_space<semaphore_mem>>) src(%dma_wait3A_36 : memref<120x128xf32, #tpu.memory_space<vmem>>) dst(%dma_wait3A_33 : memref<120x128xf32, #tpu.memory_space<vmem_shared>>)
      tpu.yield
    }) : () -> ()
    "tpu.region"() ({
      %run_scoped3A = tpu.sem_alloc : memref<!tpu.dma_semaphore, #tpu.memory_space<semaphore_mem>>
      tpu.enqueue_dma source(%arg4 : memref<128x128xf32, #tpu.memory_space<hbm>>) target(%arg7 : memref<128x128xf32, #tpu.memory_space<vmem>>) target_semaphore(%run_scoped3A : memref<!tpu.dma_semaphore, #tpu.memory_space<semaphore_mem>>)
      tpu.wait_dma2 semaphore(%run_scoped3A : memref<!tpu.dma_semaphore, #tpu.memory_space<semaphore_mem>>) src(%arg4 : memref<128x128xf32, #tpu.memory_space<hbm>>) dst(%arg7 : memref<128x128xf32, #tpu.memory_space<vmem>>)
      tpu.yield
    }) : () -> ()
    %barrier3A = arith.constant 0 : index
    tpu.barrier barrier_id(%barrier3A)
    "tpu.region"() ({
      %run_scoped3A = tpu.sem_alloc : memref<!tpu.dma_semaphore, #tpu.memory_space<semaphore_mem>>
      %dma_start3A = arith.constant 0 : i32
      %dma_start3A_19 = arith.constant 0 : i32
      %dma_start3A_20 = tpu.memref_slice %arg2[%add3A, %dma_start3A, %dma_start3A_19] : memref<32x79x128xi32, #tpu.memory_space<hbm>> -> memref<1x79x128xi32, #tpu.memory_space<hbm>>
      %dma_start3A_21 = tpu.memref_squeeze %dma_start3A_20 : memref<1x79x128xi32, #tpu.memory_space<hbm>> -> memref<79x128xi32, #tpu.memory_space<hbm>>
      %dma_start3A_22 = arith.constant 0 : i32
      %dma_start3A_23 = arith.constant 0 : i32
      %dma_start3A_24 = tpu.memref_slice %arg2[%add3A, %dma_start3A_22, %dma_start3A_23] : memref<32x79x128xi32, #tpu.memory_space<hbm>> -> memref<1x79x128xi32, #tpu.memory_space<hbm>>
      %dma_start3A_25 = tpu.memref_squeeze %dma_start3A_24 : memref<1x79x128xi32, #tpu.memory_space<hbm>> -> memref<79x128xi32, #tpu.memory_space<hbm>>
      tpu.enqueue_dma source(%dma_start3A_25 : memref<79x128xi32, #tpu.memory_space<hbm>>) target(%arg6 : memref<79x128xi32, #tpu.memory_space<vmem>>) target_semaphore(%run_scoped3A : memref<!tpu.dma_semaphore, #tpu.memory_space<semaphore_mem>>)
      %dma_wait3A = arith.constant 0 : i32
      %dma_wait3A_26 = arith.constant 0 : i32
      %dma_wait3A_27 = tpu.memref_slice %arg2[%add3A, %dma_wait3A, %dma_wait3A_26] : memref<32x79x128xi32, #tpu.memory_space<hbm>> -> memref<1x79x128xi32, #tpu.memory_space<hbm>>
      %dma_wait3A_28 = tpu.memref_squeeze %dma_wait3A_27 : memref<1x79x128xi32, #tpu.memory_space<hbm>> -> memref<79x128xi32, #tpu.memory_space<hbm>>
      %dma_wait3A_29 = arith.constant 0 : i32
      %dma_wait3A_30 = arith.constant 0 : i32
      %dma_wait3A_31 = tpu.memref_slice %arg2[%add3A, %dma_wait3A_29, %dma_wait3A_30] : memref<32x79x128xi32, #tpu.memory_space<hbm>> -> memref<1x79x128xi32, #tpu.memory_space<hbm>>
      %dma_wait3A_32 = tpu.memref_squeeze %dma_wait3A_31 : memref<1x79x128xi32, #tpu.memory_space<hbm>> -> memref<79x128xi32, #tpu.memory_space<hbm>>
      tpu.wait_dma2 semaphore(%run_scoped3A : memref<!tpu.dma_semaphore, #tpu.memory_space<semaphore_mem>>) src(%dma_wait3A_32 : memref<79x128xi32, #tpu.memory_space<hbm>>) dst(%arg6 : memref<79x128xi32, #tpu.memory_space<vmem>>)
      tpu.yield
    }) : () -> ()
    %scan3A = arith.constant 0 : i32
    %scan3A_13 = arith.constant 0 : i32
    %scan3A_14 = arith.constant 79 : i32
    %scan3A_15 = arith.addi %scan3A_13, %scan3A_14 : i32
    %scan3A_16 = arith.constant 1 : i32
    scf.for %scan3A_19 = %scan3A_13 to %scan3A_15 step %scan3A_16  : i32 {
      "tpu.region"() ({
        %run_scoped3A = tpu.sem_alloc : memref<!tpu.dma_semaphore, #tpu.memory_space<semaphore_mem>>
        %dma_start3A = arith.constant 0 : i32
        %dma_start3A_20 = tpu.memref_slice %arg6[%scan3A_19, %dma_start3A] : memref<79x128xi32, #tpu.memory_space<vmem>> -> memref<1x128xi32, #tpu.memory_space<vmem>>
        %dma_start3A_21 = tpu.memref_squeeze %dma_start3A_20 : memref<1x128xi32, #tpu.memory_space<vmem>> -> memref<128xi32, #tpu.memory_space<vmem>>
        %dma_start3A_22 = arith.constant 0 : i32
        %dma_start3A_23 = arith.constant 0 : i32
        %dma_start3A_24 = tpu.memref_slice %arg8[%dma_start3A_22, %dma_start3A_23] : memref<10112x128xf32, #tpu.memory_space<vmem_shared>> -> memref<10112x128xf32, #tpu.memory_space<vmem_shared>>
        tpu.enqueue_indirect_dma source(%arg7 : memref<128x128xf32, #tpu.memory_space<vmem>>) target(%dma_start3A_24 : memref<10112x128xf32, #tpu.memory_space<vmem_shared>>) offsets(%dma_start3A_21 : memref<128xi32, #tpu.memory_space<vmem>>) semaphore(%run_scoped3A : memref<!tpu.dma_semaphore, #tpu.memory_space<semaphore_mem>>) {add = true}
        %dma_wait3A = arith.constant 0 : i32
        %dma_wait3A_25 = tpu.memref_slice %arg6[%scan3A_19, %dma_wait3A] : memref<79x128xi32, #tpu.memory_space<vmem>> -> memref<1x128xi32, #tpu.memory_space<vmem>>
        %dma_wait3A_26 = tpu.memref_squeeze %dma_wait3A_25 : memref<1x128xi32, #tpu.memory_space<vmem>> -> memref<128xi32, #tpu.memory_space<vmem>>
        %dma_wait3A_27 = arith.constant 0 : i32
        %dma_wait3A_28 = arith.constant 0 : i32
        %dma_wait3A_29 = tpu.memref_slice %arg8[%dma_wait3A_27, %dma_wait3A_28] : memref<10112x128xf32, #tpu.memory_space<vmem_shared>> -> memref<10112x128xf32, #tpu.memory_space<vmem_shared>>
        tpu.wait_indirect_dma semaphore(%run_scoped3A : memref<!tpu.dma_semaphore, #tpu.memory_space<semaphore_mem>>) src(%arg7 : memref<128x128xf32, #tpu.memory_space<vmem>>) dst(%dma_wait3A_29 : memref<10112x128xf32, #tpu.memory_space<vmem_shared>>)
        tpu.yield
      }) : () -> ()
    }
    %scan3A_17 = arith.constant 79 : i32
    %barrier3A_18 = arith.constant 0 : index
    tpu.barrier barrier_id(%barrier3A_18)
    "tpu.region"() ({
      %run_scoped3A = tpu.sem_alloc : memref<!tpu.dma_semaphore, #tpu.memory_space<semaphore_mem>>
      %dma_start3A = arith.constant 0 : i32
      %dma_start3A_19 = arith.constant 0 : i32
      %dma_start3A_20 = tpu.memref_slice %arg5[%arg0, %dma_start3A, %dma_start3A_19] : memref<2x10112x128xf32, #tpu.memory_space<hbm>> -> memref<1x10112x128xf32, #tpu.memory_space<hbm>>
      %dma_start3A_21 = tpu.memref_squeeze %dma_start3A_20 : memref<1x10112x128xf32, #tpu.memory_space<hbm>> -> memref<10112x128xf32, #tpu.memory_space<hbm>>
      %dma_start3A_22 = arith.constant 0 : i32
      %dma_start3A_23 = tpu.memref_slice %dma_start3A_21[%mul3A_2, %dma_start3A_22] : memref<10112x128xf32, #tpu.memory_space<hbm>> -> memref<632x128xf32, #tpu.memory_space<hbm>>
      %dma_start3A_24 = arith.constant 0 : i32
      %dma_start3A_25 = tpu.memref_slice %arg8[%mul3A_2, %dma_start3A_24] : memref<10112x128xf32, #tpu.memory_space<vmem_shared>> -> memref<632x128xf32, #tpu.memory_space<vmem_shared>>
      tpu.enqueue_dma source(%dma_start3A_25 : memref<632x128xf32, #tpu.memory_space<vmem_shared>>) target(%dma_start3A_23 : memref<632x128xf32, #tpu.memory_space<hbm>>) target_semaphore(%run_scoped3A : memref<!tpu.dma_semaphore, #tpu.memory_space<semaphore_mem>>)
      %dma_wait3A = arith.constant 0 : i32
      %dma_wait3A_26 = arith.constant 0 : i32
      %dma_wait3A_27 = tpu.memref_slice %arg5[%arg0, %dma_wait3A, %dma_wait3A_26] : memref<2x10112x128xf32, #tpu.memory_space<hbm>> -> memref<1x10112x128xf32, #tpu.memory_space<hbm>>
      %dma_wait3A_28 = tpu.memref_squeeze %dma_wait3A_27 : memref<1x10112x128xf32, #tpu.memory_space<hbm>> -> memref<10112x128xf32, #tpu.memory_space<hbm>>
      %dma_wait3A_29 = arith.constant 0 : i32
      %dma_wait3A_30 = tpu.memref_slice %dma_wait3A_28[%mul3A_2, %dma_wait3A_29] : memref<10112x128xf32, #tpu.memory_space<hbm>> -> memref<632x128xf32, #tpu.memory_space<hbm>>
      %dma_wait3A_31 = arith.constant 0 : i32
      %dma_wait3A_32 = tpu.memref_slice %arg8[%mul3A_2, %dma_wait3A_31] : memref<10112x128xf32, #tpu.memory_space<vmem_shared>> -> memref<632x128xf32, #tpu.memory_space<vmem_shared>>
      tpu.wait_dma2 semaphore(%run_scoped3A : memref<!tpu.dma_semaphore, #tpu.memory_space<semaphore_mem>>) src(%dma_wait3A_32 : memref<632x128xf32, #tpu.memory_space<vmem_shared>>) dst(%dma_wait3A_30 : memref<632x128xf32, #tpu.memory_space<hbm>>)
      tpu.yield
    }) : () -> ()
    return
  }
}

#map = affine_map<(d0, d1) -> (0, 0)>
#map1 = affine_map<(d0, d1) -> (0, 0, 0)>
module attributes {stable_mosaic.version = 14 : i64} {
  func.func @_sc_agg(%arg0: i32, %arg1: i32, %arg2: memref<10000x128xf32, #tpu.memory_space<hbm>>, %arg3: memref<32x79x128xi32, #tpu.memory_space<hbm>>, %arg4: memref<32x79x128xi32, #tpu.memory_space<hbm>>, %arg5: memref<128x128xf32, #tpu.memory_space<hbm>>, %arg6: memref<2x10112x128xf32, #tpu.memory_space<hbm>>, %arg7: memref<79x128xi32, #tpu.memory_space<vmem>>, %arg8: memref<79x128xi32, #tpu.memory_space<vmem>>, %arg9: memref<128x128xf32, #tpu.memory_space<vmem>>, %arg10: memref<10112x128xf32, #tpu.memory_space<vmem_shared>>, %arg11: memref<!tpu.dma_semaphore, #tpu.memory_space<semaphore_mem>>) attributes {dimension_semantics = [#tpu.dimension_semantics<core_parallel>, #tpu.dimension_semantics<subcore_parallel>], iteration_bounds = array<i64: 2, 16>, scalar_prefetch = 0 : i64, scratch_operands = 5 : i64, tpu.core_type = #tpu.core_type<sc_vector_subcore>, window_params = [{transform_indices = #map}, {transform_indices = #map1}, {transform_indices = #map1}, {transform_indices = #map}, {transform_indices = #map1}]} {
    %mul3A = arith.constant 2 : i32
    %mul3A_0 = arith.muli %arg1, %mul3A : i32
    %add3A = arith.addi %mul3A_0, %arg0 : i32
    "tpu.region"() ({
      %run_scoped3A = tpu.sem_alloc : memref<!tpu.dma_semaphore, #tpu.memory_space<semaphore_mem>>
      tpu.enqueue_dma source(%arg5 : memref<128x128xf32, #tpu.memory_space<hbm>>) target(%arg9 : memref<128x128xf32, #tpu.memory_space<vmem>>) target_semaphore(%run_scoped3A : memref<!tpu.dma_semaphore, #tpu.memory_space<semaphore_mem>>)
      tpu.wait_dma2 semaphore(%run_scoped3A : memref<!tpu.dma_semaphore, #tpu.memory_space<semaphore_mem>>) src(%arg5 : memref<128x128xf32, #tpu.memory_space<hbm>>) dst(%arg9 : memref<128x128xf32, #tpu.memory_space<vmem>>)
      tpu.yield
    }) : () -> ()
    %mul3A_1 = arith.constant 632 : i32
    %mul3A_2 = arith.muli %arg1, %mul3A_1 : i32
    %add3A_3 = arith.constant 0 : i32
    %add3A_4 = arith.addi %mul3A_2, %add3A_3 : i32
    "tpu.region"() ({
      %run_scoped3A = tpu.sem_alloc : memref<!tpu.dma_semaphore, #tpu.memory_space<semaphore_mem>>
      %dma_start3A = arith.constant 0 : i32
      %dma_start3A_19 = arith.constant 0 : i32
      %dma_start3A_20 = tpu.memref_slice %arg9[%dma_start3A, %dma_start3A_19] : memref<128x128xf32, #tpu.memory_space<vmem>> -> memref<128x128xf32, #tpu.memory_space<vmem>>
      %dma_start3A_21 = arith.constant 0 : i32
      %dma_start3A_22 = tpu.memref_slice %arg10[%add3A_4, %dma_start3A_21] : memref<10112x128xf32, #tpu.memory_space<vmem_shared>> -> memref<128x128xf32, #tpu.memory_space<vmem_shared>>
      %dma_start3A_23 = arith.constant 0 : i32
      %dma_start3A_24 = tpu.memref_slice %arg10[%add3A_4, %dma_start3A_23] : memref<10112x128xf32, #tpu.memory_space<vmem_shared>> -> memref<128x128xf32, #tpu.memory_space<vmem_shared>>
      %dma_start3A_25 = arith.constant 0 : i32
      %dma_start3A_26 = arith.constant 0 : i32
      %dma_start3A_27 = tpu.memref_slice %arg9[%dma_start3A_25, %dma_start3A_26] : memref<128x128xf32, #tpu.memory_space<vmem>> -> memref<128x128xf32, #tpu.memory_space<vmem>>
      tpu.enqueue_dma source(%dma_start3A_27 : memref<128x128xf32, #tpu.memory_space<vmem>>) target(%dma_start3A_24 : memref<128x128xf32, #tpu.memory_space<vmem_shared>>) target_semaphore(%run_scoped3A : memref<!tpu.dma_semaphore, #tpu.memory_space<semaphore_mem>>)
      %dma_wait3A = arith.constant 0 : i32
      %dma_wait3A_28 = arith.constant 0 : i32
      %dma_wait3A_29 = tpu.memref_slice %arg9[%dma_wait3A, %dma_wait3A_28] : memref<128x128xf32, #tpu.memory_space<vmem>> -> memref<128x128xf32, #tpu.memory_space<vmem>>
      %dma_wait3A_30 = arith.constant 0 : i32
      %dma_wait3A_31 = tpu.memref_slice %arg10[%add3A_4, %dma_wait3A_30] : memref<10112x128xf32, #tpu.memory_space<vmem_shared>> -> memref<128x128xf32, #tpu.memory_space<vmem_shared>>
      %dma_wait3A_32 = arith.constant 0 : i32
      %dma_wait3A_33 = tpu.memref_slice %arg10[%add3A_4, %dma_wait3A_32] : memref<10112x128xf32, #tpu.memory_space<vmem_shared>> -> memref<128x128xf32, #tpu.memory_space<vmem_shared>>
      %dma_wait3A_34 = arith.constant 0 : i32
      %dma_wait3A_35 = arith.constant 0 : i32
      %dma_wait3A_36 = tpu.memref_slice %arg9[%dma_wait3A_34, %dma_wait3A_35] : memref<128x128xf32, #tpu.memory_space<vmem>> -> memref<128x128xf32, #tpu.memory_space<vmem>>
      tpu.wait_dma2 semaphore(%run_scoped3A : memref<!tpu.dma_semaphore, #tpu.memory_space<semaphore_mem>>) src(%dma_wait3A_36 : memref<128x128xf32, #tpu.memory_space<vmem>>) dst(%dma_wait3A_33 : memref<128x128xf32, #tpu.memory_space<vmem_shared>>)
      tpu.yield
    }) : () -> ()
    %add3A_5 = arith.constant 128 : i32
    %add3A_6 = arith.addi %mul3A_2, %add3A_5 : i32
    "tpu.region"() ({
      %run_scoped3A = tpu.sem_alloc : memref<!tpu.dma_semaphore, #tpu.memory_space<semaphore_mem>>
      %dma_start3A = arith.constant 0 : i32
      %dma_start3A_19 = arith.constant 0 : i32
      %dma_start3A_20 = tpu.memref_slice %arg9[%dma_start3A, %dma_start3A_19] : memref<128x128xf32, #tpu.memory_space<vmem>> -> memref<128x128xf32, #tpu.memory_space<vmem>>
      %dma_start3A_21 = arith.constant 0 : i32
      %dma_start3A_22 = tpu.memref_slice %arg10[%add3A_6, %dma_start3A_21] : memref<10112x128xf32, #tpu.memory_space<vmem_shared>> -> memref<128x128xf32, #tpu.memory_space<vmem_shared>>
      %dma_start3A_23 = arith.constant 0 : i32
      %dma_start3A_24 = tpu.memref_slice %arg10[%add3A_6, %dma_start3A_23] : memref<10112x128xf32, #tpu.memory_space<vmem_shared>> -> memref<128x128xf32, #tpu.memory_space<vmem_shared>>
      %dma_start3A_25 = arith.constant 0 : i32
      %dma_start3A_26 = arith.constant 0 : i32
      %dma_start3A_27 = tpu.memref_slice %arg9[%dma_start3A_25, %dma_start3A_26] : memref<128x128xf32, #tpu.memory_space<vmem>> -> memref<128x128xf32, #tpu.memory_space<vmem>>
      tpu.enqueue_dma source(%dma_start3A_27 : memref<128x128xf32, #tpu.memory_space<vmem>>) target(%dma_start3A_24 : memref<128x128xf32, #tpu.memory_space<vmem_shared>>) target_semaphore(%run_scoped3A : memref<!tpu.dma_semaphore, #tpu.memory_space<semaphore_mem>>)
      %dma_wait3A = arith.constant 0 : i32
      %dma_wait3A_28 = arith.constant 0 : i32
      %dma_wait3A_29 = tpu.memref_slice %arg9[%dma_wait3A, %dma_wait3A_28] : memref<128x128xf32, #tpu.memory_space<vmem>> -> memref<128x128xf32, #tpu.memory_space<vmem>>
      %dma_wait3A_30 = arith.constant 0 : i32
      %dma_wait3A_31 = tpu.memref_slice %arg10[%add3A_6, %dma_wait3A_30] : memref<10112x128xf32, #tpu.memory_space<vmem_shared>> -> memref<128x128xf32, #tpu.memory_space<vmem_shared>>
      %dma_wait3A_32 = arith.constant 0 : i32
      %dma_wait3A_33 = tpu.memref_slice %arg10[%add3A_6, %dma_wait3A_32] : memref<10112x128xf32, #tpu.memory_space<vmem_shared>> -> memref<128x128xf32, #tpu.memory_space<vmem_shared>>
      %dma_wait3A_34 = arith.constant 0 : i32
      %dma_wait3A_35 = arith.constant 0 : i32
      %dma_wait3A_36 = tpu.memref_slice %arg9[%dma_wait3A_34, %dma_wait3A_35] : memref<128x128xf32, #tpu.memory_space<vmem>> -> memref<128x128xf32, #tpu.memory_space<vmem>>
      tpu.wait_dma2 semaphore(%run_scoped3A : memref<!tpu.dma_semaphore, #tpu.memory_space<semaphore_mem>>) src(%dma_wait3A_36 : memref<128x128xf32, #tpu.memory_space<vmem>>) dst(%dma_wait3A_33 : memref<128x128xf32, #tpu.memory_space<vmem_shared>>)
      tpu.yield
    }) : () -> ()
    %add3A_7 = arith.constant 256 : i32
    %add3A_8 = arith.addi %mul3A_2, %add3A_7 : i32
    "tpu.region"() ({
      %run_scoped3A = tpu.sem_alloc : memref<!tpu.dma_semaphore, #tpu.memory_space<semaphore_mem>>
      %dma_start3A = arith.constant 0 : i32
      %dma_start3A_19 = arith.constant 0 : i32
      %dma_start3A_20 = tpu.memref_slice %arg9[%dma_start3A, %dma_start3A_19] : memref<128x128xf32, #tpu.memory_space<vmem>> -> memref<128x128xf32, #tpu.memory_space<vmem>>
      %dma_start3A_21 = arith.constant 0 : i32
      %dma_start3A_22 = tpu.memref_slice %arg10[%add3A_8, %dma_start3A_21] : memref<10112x128xf32, #tpu.memory_space<vmem_shared>> -> memref<128x128xf32, #tpu.memory_space<vmem_shared>>
      %dma_start3A_23 = arith.constant 0 : i32
      %dma_start3A_24 = tpu.memref_slice %arg10[%add3A_8, %dma_start3A_23] : memref<10112x128xf32, #tpu.memory_space<vmem_shared>> -> memref<128x128xf32, #tpu.memory_space<vmem_shared>>
      %dma_start3A_25 = arith.constant 0 : i32
      %dma_start3A_26 = arith.constant 0 : i32
      %dma_start3A_27 = tpu.memref_slice %arg9[%dma_start3A_25, %dma_start3A_26] : memref<128x128xf32, #tpu.memory_space<vmem>> -> memref<128x128xf32, #tpu.memory_space<vmem>>
      tpu.enqueue_dma source(%dma_start3A_27 : memref<128x128xf32, #tpu.memory_space<vmem>>) target(%dma_start3A_24 : memref<128x128xf32, #tpu.memory_space<vmem_shared>>) target_semaphore(%run_scoped3A : memref<!tpu.dma_semaphore, #tpu.memory_space<semaphore_mem>>)
      %dma_wait3A = arith.constant 0 : i32
      %dma_wait3A_28 = arith.constant 0 : i32
      %dma_wait3A_29 = tpu.memref_slice %arg9[%dma_wait3A, %dma_wait3A_28] : memref<128x128xf32, #tpu.memory_space<vmem>> -> memref<128x128xf32, #tpu.memory_space<vmem>>
      %dma_wait3A_30 = arith.constant 0 : i32
      %dma_wait3A_31 = tpu.memref_slice %arg10[%add3A_8, %dma_wait3A_30] : memref<10112x128xf32, #tpu.memory_space<vmem_shared>> -> memref<128x128xf32, #tpu.memory_space<vmem_shared>>
      %dma_wait3A_32 = arith.constant 0 : i32
      %dma_wait3A_33 = tpu.memref_slice %arg10[%add3A_8, %dma_wait3A_32] : memref<10112x128xf32, #tpu.memory_space<vmem_shared>> -> memref<128x128xf32, #tpu.memory_space<vmem_shared>>
      %dma_wait3A_34 = arith.constant 0 : i32
      %dma_wait3A_35 = arith.constant 0 : i32
      %dma_wait3A_36 = tpu.memref_slice %arg9[%dma_wait3A_34, %dma_wait3A_35] : memref<128x128xf32, #tpu.memory_space<vmem>> -> memref<128x128xf32, #tpu.memory_space<vmem>>
      tpu.wait_dma2 semaphore(%run_scoped3A : memref<!tpu.dma_semaphore, #tpu.memory_space<semaphore_mem>>) src(%dma_wait3A_36 : memref<128x128xf32, #tpu.memory_space<vmem>>) dst(%dma_wait3A_33 : memref<128x128xf32, #tpu.memory_space<vmem_shared>>)
      tpu.yield
    }) : () -> ()
    %add3A_9 = arith.constant 384 : i32
    %add3A_10 = arith.addi %mul3A_2, %add3A_9 : i32
    "tpu.region"() ({
      %run_scoped3A = tpu.sem_alloc : memref<!tpu.dma_semaphore, #tpu.memory_space<semaphore_mem>>
      %dma_start3A = arith.constant 0 : i32
      %dma_start3A_19 = arith.constant 0 : i32
      %dma_start3A_20 = tpu.memref_slice %arg9[%dma_start3A, %dma_start3A_19] : memref<128x128xf32, #tpu.memory_space<vmem>> -> memref<128x128xf32, #tpu.memory_space<vmem>>
      %dma_start3A_21 = arith.constant 0 : i32
      %dma_start3A_22 = tpu.memref_slice %arg10[%add3A_10, %dma_start3A_21] : memref<10112x128xf32, #tpu.memory_space<vmem_shared>> -> memref<128x128xf32, #tpu.memory_space<vmem_shared>>
      %dma_start3A_23 = arith.constant 0 : i32
      %dma_start3A_24 = tpu.memref_slice %arg10[%add3A_10, %dma_start3A_23] : memref<10112x128xf32, #tpu.memory_space<vmem_shared>> -> memref<128x128xf32, #tpu.memory_space<vmem_shared>>
      %dma_start3A_25 = arith.constant 0 : i32
      %dma_start3A_26 = arith.constant 0 : i32
      %dma_start3A_27 = tpu.memref_slice %arg9[%dma_start3A_25, %dma_start3A_26] : memref<128x128xf32, #tpu.memory_space<vmem>> -> memref<128x128xf32, #tpu.memory_space<vmem>>
      tpu.enqueue_dma source(%dma_start3A_27 : memref<128x128xf32, #tpu.memory_space<vmem>>) target(%dma_start3A_24 : memref<128x128xf32, #tpu.memory_space<vmem_shared>>) target_semaphore(%run_scoped3A : memref<!tpu.dma_semaphore, #tpu.memory_space<semaphore_mem>>)
      %dma_wait3A = arith.constant 0 : i32
      %dma_wait3A_28 = arith.constant 0 : i32
      %dma_wait3A_29 = tpu.memref_slice %arg9[%dma_wait3A, %dma_wait3A_28] : memref<128x128xf32, #tpu.memory_space<vmem>> -> memref<128x128xf32, #tpu.memory_space<vmem>>
      %dma_wait3A_30 = arith.constant 0 : i32
      %dma_wait3A_31 = tpu.memref_slice %arg10[%add3A_10, %dma_wait3A_30] : memref<10112x128xf32, #tpu.memory_space<vmem_shared>> -> memref<128x128xf32, #tpu.memory_space<vmem_shared>>
      %dma_wait3A_32 = arith.constant 0 : i32
      %dma_wait3A_33 = tpu.memref_slice %arg10[%add3A_10, %dma_wait3A_32] : memref<10112x128xf32, #tpu.memory_space<vmem_shared>> -> memref<128x128xf32, #tpu.memory_space<vmem_shared>>
      %dma_wait3A_34 = arith.constant 0 : i32
      %dma_wait3A_35 = arith.constant 0 : i32
      %dma_wait3A_36 = tpu.memref_slice %arg9[%dma_wait3A_34, %dma_wait3A_35] : memref<128x128xf32, #tpu.memory_space<vmem>> -> memref<128x128xf32, #tpu.memory_space<vmem>>
      tpu.wait_dma2 semaphore(%run_scoped3A : memref<!tpu.dma_semaphore, #tpu.memory_space<semaphore_mem>>) src(%dma_wait3A_36 : memref<128x128xf32, #tpu.memory_space<vmem>>) dst(%dma_wait3A_33 : memref<128x128xf32, #tpu.memory_space<vmem_shared>>)
      tpu.yield
    }) : () -> ()
    %add3A_11 = arith.constant 512 : i32
    %add3A_12 = arith.addi %mul3A_2, %add3A_11 : i32
    "tpu.region"() ({
      %run_scoped3A = tpu.sem_alloc : memref<!tpu.dma_semaphore, #tpu.memory_space<semaphore_mem>>
      %dma_start3A = arith.constant 0 : i32
      %dma_start3A_19 = arith.constant 0 : i32
      %dma_start3A_20 = tpu.memref_slice %arg9[%dma_start3A, %dma_start3A_19] : memref<128x128xf32, #tpu.memory_space<vmem>> -> memref<120x128xf32, #tpu.memory_space<vmem>>
      %dma_start3A_21 = arith.constant 0 : i32
      %dma_start3A_22 = tpu.memref_slice %arg10[%add3A_12, %dma_start3A_21] : memref<10112x128xf32, #tpu.memory_space<vmem_shared>> -> memref<120x128xf32, #tpu.memory_space<vmem_shared>>
      %dma_start3A_23 = arith.constant 0 : i32
      %dma_start3A_24 = tpu.memref_slice %arg10[%add3A_12, %dma_start3A_23] : memref<10112x128xf32, #tpu.memory_space<vmem_shared>> -> memref<120x128xf32, #tpu.memory_space<vmem_shared>>
      %dma_start3A_25 = arith.constant 0 : i32
      %dma_start3A_26 = arith.constant 0 : i32
      %dma_start3A_27 = tpu.memref_slice %arg9[%dma_start3A_25, %dma_start3A_26] : memref<128x128xf32, #tpu.memory_space<vmem>> -> memref<120x128xf32, #tpu.memory_space<vmem>>
      tpu.enqueue_dma source(%dma_start3A_27 : memref<120x128xf32, #tpu.memory_space<vmem>>) target(%dma_start3A_24 : memref<120x128xf32, #tpu.memory_space<vmem_shared>>) target_semaphore(%run_scoped3A : memref<!tpu.dma_semaphore, #tpu.memory_space<semaphore_mem>>)
      %dma_wait3A = arith.constant 0 : i32
      %dma_wait3A_28 = arith.constant 0 : i32
      %dma_wait3A_29 = tpu.memref_slice %arg9[%dma_wait3A, %dma_wait3A_28] : memref<128x128xf32, #tpu.memory_space<vmem>> -> memref<120x128xf32, #tpu.memory_space<vmem>>
      %dma_wait3A_30 = arith.constant 0 : i32
      %dma_wait3A_31 = tpu.memref_slice %arg10[%add3A_12, %dma_wait3A_30] : memref<10112x128xf32, #tpu.memory_space<vmem_shared>> -> memref<120x128xf32, #tpu.memory_space<vmem_shared>>
      %dma_wait3A_32 = arith.constant 0 : i32
      %dma_wait3A_33 = tpu.memref_slice %arg10[%add3A_12, %dma_wait3A_32] : memref<10112x128xf32, #tpu.memory_space<vmem_shared>> -> memref<120x128xf32, #tpu.memory_space<vmem_shared>>
      %dma_wait3A_34 = arith.constant 0 : i32
      %dma_wait3A_35 = arith.constant 0 : i32
      %dma_wait3A_36 = tpu.memref_slice %arg9[%dma_wait3A_34, %dma_wait3A_35] : memref<128x128xf32, #tpu.memory_space<vmem>> -> memref<120x128xf32, #tpu.memory_space<vmem>>
      tpu.wait_dma2 semaphore(%run_scoped3A : memref<!tpu.dma_semaphore, #tpu.memory_space<semaphore_mem>>) src(%dma_wait3A_36 : memref<120x128xf32, #tpu.memory_space<vmem>>) dst(%dma_wait3A_33 : memref<120x128xf32, #tpu.memory_space<vmem_shared>>)
      tpu.yield
    }) : () -> ()
    %barrier3A = arith.constant 0 : index
    tpu.barrier barrier_id(%barrier3A)
    "tpu.region"() ({
      %run_scoped3A = tpu.sem_alloc : memref<!tpu.dma_semaphore, #tpu.memory_space<semaphore_mem>>
      %dma_start3A = arith.constant 0 : i32
      %dma_start3A_19 = arith.constant 0 : i32
      %dma_start3A_20 = tpu.memref_slice %arg3[%add3A, %dma_start3A, %dma_start3A_19] : memref<32x79x128xi32, #tpu.memory_space<hbm>> -> memref<1x79x128xi32, #tpu.memory_space<hbm>>
      %dma_start3A_21 = tpu.memref_squeeze %dma_start3A_20 : memref<1x79x128xi32, #tpu.memory_space<hbm>> -> memref<79x128xi32, #tpu.memory_space<hbm>>
      %dma_start3A_22 = arith.constant 0 : i32
      %dma_start3A_23 = arith.constant 0 : i32
      %dma_start3A_24 = tpu.memref_slice %arg3[%add3A, %dma_start3A_22, %dma_start3A_23] : memref<32x79x128xi32, #tpu.memory_space<hbm>> -> memref<1x79x128xi32, #tpu.memory_space<hbm>>
      %dma_start3A_25 = tpu.memref_squeeze %dma_start3A_24 : memref<1x79x128xi32, #tpu.memory_space<hbm>> -> memref<79x128xi32, #tpu.memory_space<hbm>>
      tpu.enqueue_dma source(%dma_start3A_25 : memref<79x128xi32, #tpu.memory_space<hbm>>) target(%arg7 : memref<79x128xi32, #tpu.memory_space<vmem>>) target_semaphore(%run_scoped3A : memref<!tpu.dma_semaphore, #tpu.memory_space<semaphore_mem>>)
      %dma_wait3A = arith.constant 0 : i32
      %dma_wait3A_26 = arith.constant 0 : i32
      %dma_wait3A_27 = tpu.memref_slice %arg3[%add3A, %dma_wait3A, %dma_wait3A_26] : memref<32x79x128xi32, #tpu.memory_space<hbm>> -> memref<1x79x128xi32, #tpu.memory_space<hbm>>
      %dma_wait3A_28 = tpu.memref_squeeze %dma_wait3A_27 : memref<1x79x128xi32, #tpu.memory_space<hbm>> -> memref<79x128xi32, #tpu.memory_space<hbm>>
      %dma_wait3A_29 = arith.constant 0 : i32
      %dma_wait3A_30 = arith.constant 0 : i32
      %dma_wait3A_31 = tpu.memref_slice %arg3[%add3A, %dma_wait3A_29, %dma_wait3A_30] : memref<32x79x128xi32, #tpu.memory_space<hbm>> -> memref<1x79x128xi32, #tpu.memory_space<hbm>>
      %dma_wait3A_32 = tpu.memref_squeeze %dma_wait3A_31 : memref<1x79x128xi32, #tpu.memory_space<hbm>> -> memref<79x128xi32, #tpu.memory_space<hbm>>
      tpu.wait_dma2 semaphore(%run_scoped3A : memref<!tpu.dma_semaphore, #tpu.memory_space<semaphore_mem>>) src(%dma_wait3A_32 : memref<79x128xi32, #tpu.memory_space<hbm>>) dst(%arg7 : memref<79x128xi32, #tpu.memory_space<vmem>>)
      tpu.yield
    }) : () -> ()
    "tpu.region"() ({
      %run_scoped3A = tpu.sem_alloc : memref<!tpu.dma_semaphore, #tpu.memory_space<semaphore_mem>>
      %dma_start3A = arith.constant 0 : i32
      %dma_start3A_19 = arith.constant 0 : i32
      %dma_start3A_20 = tpu.memref_slice %arg4[%add3A, %dma_start3A, %dma_start3A_19] : memref<32x79x128xi32, #tpu.memory_space<hbm>> -> memref<1x79x128xi32, #tpu.memory_space<hbm>>
      %dma_start3A_21 = tpu.memref_squeeze %dma_start3A_20 : memref<1x79x128xi32, #tpu.memory_space<hbm>> -> memref<79x128xi32, #tpu.memory_space<hbm>>
      %dma_start3A_22 = arith.constant 0 : i32
      %dma_start3A_23 = arith.constant 0 : i32
      %dma_start3A_24 = tpu.memref_slice %arg4[%add3A, %dma_start3A_22, %dma_start3A_23] : memref<32x79x128xi32, #tpu.memory_space<hbm>> -> memref<1x79x128xi32, #tpu.memory_space<hbm>>
      %dma_start3A_25 = tpu.memref_squeeze %dma_start3A_24 : memref<1x79x128xi32, #tpu.memory_space<hbm>> -> memref<79x128xi32, #tpu.memory_space<hbm>>
      tpu.enqueue_dma source(%dma_start3A_25 : memref<79x128xi32, #tpu.memory_space<hbm>>) target(%arg8 : memref<79x128xi32, #tpu.memory_space<vmem>>) target_semaphore(%run_scoped3A : memref<!tpu.dma_semaphore, #tpu.memory_space<semaphore_mem>>)
      %dma_wait3A = arith.constant 0 : i32
      %dma_wait3A_26 = arith.constant 0 : i32
      %dma_wait3A_27 = tpu.memref_slice %arg4[%add3A, %dma_wait3A, %dma_wait3A_26] : memref<32x79x128xi32, #tpu.memory_space<hbm>> -> memref<1x79x128xi32, #tpu.memory_space<hbm>>
      %dma_wait3A_28 = tpu.memref_squeeze %dma_wait3A_27 : memref<1x79x128xi32, #tpu.memory_space<hbm>> -> memref<79x128xi32, #tpu.memory_space<hbm>>
      %dma_wait3A_29 = arith.constant 0 : i32
      %dma_wait3A_30 = arith.constant 0 : i32
      %dma_wait3A_31 = tpu.memref_slice %arg4[%add3A, %dma_wait3A_29, %dma_wait3A_30] : memref<32x79x128xi32, #tpu.memory_space<hbm>> -> memref<1x79x128xi32, #tpu.memory_space<hbm>>
      %dma_wait3A_32 = tpu.memref_squeeze %dma_wait3A_31 : memref<1x79x128xi32, #tpu.memory_space<hbm>> -> memref<79x128xi32, #tpu.memory_space<hbm>>
      tpu.wait_dma2 semaphore(%run_scoped3A : memref<!tpu.dma_semaphore, #tpu.memory_space<semaphore_mem>>) src(%dma_wait3A_32 : memref<79x128xi32, #tpu.memory_space<hbm>>) dst(%arg8 : memref<79x128xi32, #tpu.memory_space<vmem>>)
      tpu.yield
    }) : () -> ()
    %scan3A = arith.constant 0 : i32
    %scan3A_13 = arith.constant 0 : i32
    %scan3A_14 = arith.constant 79 : i32
    %scan3A_15 = arith.addi %scan3A_13, %scan3A_14 : i32
    %scan3A_16 = arith.constant 1 : i32
    scf.for %scan3A_19 = %scan3A_13 to %scan3A_15 step %scan3A_16  : i32 {
      %dma_start3A = arith.constant 0 : i32
      %dma_start3A_20 = tpu.memref_slice %arg7[%scan3A_19, %dma_start3A] : memref<79x128xi32, #tpu.memory_space<vmem>> -> memref<1x128xi32, #tpu.memory_space<vmem>>
      %dma_start3A_21 = tpu.memref_squeeze %dma_start3A_20 : memref<1x128xi32, #tpu.memory_space<vmem>> -> memref<128xi32, #tpu.memory_space<vmem>>
      %dma_start3A_22 = arith.constant 0 : i32
      %dma_start3A_23 = arith.constant 0 : i32
      %dma_start3A_24 = tpu.memref_slice %arg2[%dma_start3A_22, %dma_start3A_23] : memref<10000x128xf32, #tpu.memory_space<hbm>> -> memref<10000x128xf32, #tpu.memory_space<hbm>>
      tpu.enqueue_indirect_dma source(%dma_start3A_24 : memref<10000x128xf32, #tpu.memory_space<hbm>>) target(%arg9 : memref<128x128xf32, #tpu.memory_space<vmem>>) offsets(%dma_start3A_21 : memref<128xi32, #tpu.memory_space<vmem>>) semaphore(%arg11 : memref<!tpu.dma_semaphore, #tpu.memory_space<semaphore_mem>>)
      %dma_wait3A = arith.constant 0 : i32
      %dma_wait3A_25 = tpu.memref_slice %arg7[%scan3A_19, %dma_wait3A] : memref<79x128xi32, #tpu.memory_space<vmem>> -> memref<1x128xi32, #tpu.memory_space<vmem>>
      %dma_wait3A_26 = tpu.memref_squeeze %dma_wait3A_25 : memref<1x128xi32, #tpu.memory_space<vmem>> -> memref<128xi32, #tpu.memory_space<vmem>>
      %dma_wait3A_27 = arith.constant 0 : i32
      %dma_wait3A_28 = arith.constant 0 : i32
      %dma_wait3A_29 = tpu.memref_slice %arg2[%dma_wait3A_27, %dma_wait3A_28] : memref<10000x128xf32, #tpu.memory_space<hbm>> -> memref<10000x128xf32, #tpu.memory_space<hbm>>
      tpu.wait_indirect_dma semaphore(%arg11 : memref<!tpu.dma_semaphore, #tpu.memory_space<semaphore_mem>>) src(%dma_wait3A_29 : memref<10000x128xf32, #tpu.memory_space<hbm>>) dst(%arg9 : memref<128x128xf32, #tpu.memory_space<vmem>>)
      "tpu.region"() ({
        %run_scoped3A = tpu.sem_alloc : memref<!tpu.dma_semaphore, #tpu.memory_space<semaphore_mem>>
        %dma_start3A_30 = arith.constant 0 : i32
        %dma_start3A_31 = tpu.memref_slice %arg8[%scan3A_19, %dma_start3A_30] : memref<79x128xi32, #tpu.memory_space<vmem>> -> memref<1x128xi32, #tpu.memory_space<vmem>>
        %dma_start3A_32 = tpu.memref_squeeze %dma_start3A_31 : memref<1x128xi32, #tpu.memory_space<vmem>> -> memref<128xi32, #tpu.memory_space<vmem>>
        %dma_start3A_33 = arith.constant 0 : i32
        %dma_start3A_34 = arith.constant 0 : i32
        %dma_start3A_35 = tpu.memref_slice %arg10[%dma_start3A_33, %dma_start3A_34] : memref<10112x128xf32, #tpu.memory_space<vmem_shared>> -> memref<10112x128xf32, #tpu.memory_space<vmem_shared>>
        tpu.enqueue_indirect_dma source(%arg9 : memref<128x128xf32, #tpu.memory_space<vmem>>) target(%dma_start3A_35 : memref<10112x128xf32, #tpu.memory_space<vmem_shared>>) offsets(%dma_start3A_32 : memref<128xi32, #tpu.memory_space<vmem>>) semaphore(%run_scoped3A : memref<!tpu.dma_semaphore, #tpu.memory_space<semaphore_mem>>) {add = true}
        %dma_wait3A_36 = arith.constant 0 : i32
        %dma_wait3A_37 = tpu.memref_slice %arg8[%scan3A_19, %dma_wait3A_36] : memref<79x128xi32, #tpu.memory_space<vmem>> -> memref<1x128xi32, #tpu.memory_space<vmem>>
        %dma_wait3A_38 = tpu.memref_squeeze %dma_wait3A_37 : memref<1x128xi32, #tpu.memory_space<vmem>> -> memref<128xi32, #tpu.memory_space<vmem>>
        %dma_wait3A_39 = arith.constant 0 : i32
        %dma_wait3A_40 = arith.constant 0 : i32
        %dma_wait3A_41 = tpu.memref_slice %arg10[%dma_wait3A_39, %dma_wait3A_40] : memref<10112x128xf32, #tpu.memory_space<vmem_shared>> -> memref<10112x128xf32, #tpu.memory_space<vmem_shared>>
        tpu.wait_indirect_dma semaphore(%run_scoped3A : memref<!tpu.dma_semaphore, #tpu.memory_space<semaphore_mem>>) src(%arg9 : memref<128x128xf32, #tpu.memory_space<vmem>>) dst(%dma_wait3A_41 : memref<10112x128xf32, #tpu.memory_space<vmem_shared>>)
        tpu.yield
      }) : () -> ()
    }
    %scan3A_17 = arith.constant 79 : i32
    %barrier3A_18 = arith.constant 0 : index
    tpu.barrier barrier_id(%barrier3A_18)
    "tpu.region"() ({
      %run_scoped3A = tpu.sem_alloc : memref<!tpu.dma_semaphore, #tpu.memory_space<semaphore_mem>>
      %dma_start3A = arith.constant 0 : i32
      %dma_start3A_19 = arith.constant 0 : i32
      %dma_start3A_20 = tpu.memref_slice %arg6[%arg0, %dma_start3A, %dma_start3A_19] : memref<2x10112x128xf32, #tpu.memory_space<hbm>> -> memref<1x10112x128xf32, #tpu.memory_space<hbm>>
      %dma_start3A_21 = tpu.memref_squeeze %dma_start3A_20 : memref<1x10112x128xf32, #tpu.memory_space<hbm>> -> memref<10112x128xf32, #tpu.memory_space<hbm>>
      %dma_start3A_22 = arith.constant 0 : i32
      %dma_start3A_23 = tpu.memref_slice %dma_start3A_21[%mul3A_2, %dma_start3A_22] : memref<10112x128xf32, #tpu.memory_space<hbm>> -> memref<632x128xf32, #tpu.memory_space<hbm>>
      %dma_start3A_24 = arith.constant 0 : i32
      %dma_start3A_25 = tpu.memref_slice %arg10[%mul3A_2, %dma_start3A_24] : memref<10112x128xf32, #tpu.memory_space<vmem_shared>> -> memref<632x128xf32, #tpu.memory_space<vmem_shared>>
      tpu.enqueue_dma source(%dma_start3A_25 : memref<632x128xf32, #tpu.memory_space<vmem_shared>>) target(%dma_start3A_23 : memref<632x128xf32, #tpu.memory_space<hbm>>) target_semaphore(%run_scoped3A : memref<!tpu.dma_semaphore, #tpu.memory_space<semaphore_mem>>)
      %dma_wait3A = arith.constant 0 : i32
      %dma_wait3A_26 = arith.constant 0 : i32
      %dma_wait3A_27 = tpu.memref_slice %arg6[%arg0, %dma_wait3A, %dma_wait3A_26] : memref<2x10112x128xf32, #tpu.memory_space<hbm>> -> memref<1x10112x128xf32, #tpu.memory_space<hbm>>
      %dma_wait3A_28 = tpu.memref_squeeze %dma_wait3A_27 : memref<1x10112x128xf32, #tpu.memory_space<hbm>> -> memref<10112x128xf32, #tpu.memory_space<hbm>>
      %dma_wait3A_29 = arith.constant 0 : i32
      %dma_wait3A_30 = tpu.memref_slice %dma_wait3A_28[%mul3A_2, %dma_wait3A_29] : memref<10112x128xf32, #tpu.memory_space<hbm>> -> memref<632x128xf32, #tpu.memory_space<hbm>>
      %dma_wait3A_31 = arith.constant 0 : i32
      %dma_wait3A_32 = tpu.memref_slice %arg10[%mul3A_2, %dma_wait3A_31] : memref<10112x128xf32, #tpu.memory_space<vmem_shared>> -> memref<632x128xf32, #tpu.memory_space<vmem_shared>>
      tpu.wait_dma2 semaphore(%run_scoped3A : memref<!tpu.dma_semaphore, #tpu.memory_space<semaphore_mem>>) src(%dma_wait3A_32 : memref<632x128xf32, #tpu.memory_space<vmem_shared>>) dst(%dma_wait3A_30 : memref<632x128xf32, #tpu.memory_space<hbm>>)
      tpu.yield
    }) : () -> ()
    return
  }
}

module attributes {stable_mosaic.version = 14 : i64} {
  func.func @_mm1_body(%arg0: i32, %arg1: memref<400x128xf32, #tpu.memory_space<vmem>>, %arg2: memref<128x256xf32, #tpu.memory_space<vmem>>, %arg3: memref<400x128xf32, #tpu.memory_space<vmem>>, %arg4: memref<400x128xf32, #tpu.memory_space<vmem>>) attributes {dimension_semantics = [#tpu.dimension_semantics<arbitrary>], iteration_bounds = array<i64: 25>, scalar_prefetch = 0 : i64, scratch_operands = 0 : i64, tpu.core_type = #tpu.core_type<tc>, window_params = [{transform_indices = @transform_0, window_bounds = array<i64: 400, 128>}, {pipeline_mode = #tpu.pipeline_mode<synchronous>, transform_indices = @transform_1, window_bounds = array<i64: 128, 256>}, {transform_indices = @transform_2, window_bounds = array<i64: 400, 128>}, {transform_indices = @transform_3, window_bounds = array<i64: 400, 128>}]} {
    %get3A = arith.constant 0 : index
    %get3A_0 = arith.constant 0 : index
    %get3A_1 = vector.load %arg1[%get3A, %get3A_0] : memref<400x128xf32, #tpu.memory_space<vmem>>, vector<400x128xf32>
    %get3A_2 = arith.constant 0 : index
    %get3A_3 = arith.constant 0 : index
    %get3A_4 = vector.load %arg2[%get3A_2, %get3A_3] : memref<128x256xf32, #tpu.memory_space<vmem>>, vector<128x256xf32>
    %dot_general3A = arith.constant dense<0.000000e+00> : vector<400x256xf32>
    %dot_general3A_5 = tpu.matmul %get3A_1, %get3A_4, %dot_general3A {dimension_numbers = #tpu.dot_dimension_numbers<[1], [0], [0], [1], [0, 0, 1, 1], [], []>, precision = #tpu.contract_precision<fp32>, transpose_lhs_hint = false} : vector<400x128xf32>, vector<128x256xf32>, vector<400x256xf32> -> vector<400x256xf32>
    %slice3A = vector.extract_strided_slice %dot_general3A_5 {offsets = [0, 0], sizes = [400, 128], strides = [1, 1]} : vector<400x256xf32> to vector<400x128xf32>
    %swap3A = arith.constant 0 : index
    %swap3A_6 = arith.constant 0 : index
    %swap3A_7 = vector.load %arg3[%swap3A, %swap3A_6] : memref<400x128xf32, #tpu.memory_space<vmem>>, vector<400x128xf32>
    tpu.vector_store %arg3[%swap3A, %swap3A_6], %slice3A {strides = array<i32>} : memref<400x128xf32, #tpu.memory_space<vmem>>, vector<400x128xf32>,
    %slice3A_8 = vector.extract_strided_slice %dot_general3A_5 {offsets = [0, 128], sizes = [400, 128], strides = [1, 1]} : vector<400x256xf32> to vector<400x128xf32>
    %swap3A_9 = arith.constant 0 : index
    %swap3A_10 = arith.constant 0 : index
    %swap3A_11 = vector.load %arg4[%swap3A_9, %swap3A_10] : memref<400x128xf32, #tpu.memory_space<vmem>>, vector<400x128xf32>
    tpu.vector_store %arg4[%swap3A_9, %swap3A_10], %slice3A_8 {strides = array<i32>} : memref<400x128xf32, #tpu.memory_space<vmem>>, vector<400x128xf32>,
    return
  }
  func.func @transform_0(%arg0: i32) -> (i32, i32) {
    %c0_i32 = arith.constant 0 : i32
    %c0_i32_0 = arith.constant 0 : i32
    return %arg0, %c0_i32 : i32, i32
  }
  func.func @transform_1(%arg0: i32) -> (i32, i32) {
    %c0_i32 = arith.constant 0 : i32
    %c0_i32_0 = arith.constant 0 : i32
    %c0_i32_1 = arith.constant 0 : i32
    return %c0_i32, %c0_i32_0 : i32, i32
  }
  func.func @transform_2(%arg0: i32) -> (i32, i32) {
    %c0_i32 = arith.constant 0 : i32
    %c0_i32_0 = arith.constant 0 : i32
    return %arg0, %c0_i32 : i32, i32
  }
  func.func @transform_3(%arg0: i32) -> (i32, i32) {
    %c0_i32 = arith.constant 0 : i32
    %c0_i32_0 = arith.constant 0 : i32
    return %arg0, %c0_i32 : i32, i32
  }
}

module attributes {stable_mosaic.version = 14 : i64} {
  func.func @_combine2_body(%arg0: i32, %arg1: memref<2x400x128xf32, #tpu.memory_space<vmem>>, %arg2: memref<2x400x128xf32, #tpu.memory_space<vmem>>, %arg3: memref<400x128xf32, #tpu.memory_space<vmem>>, %arg4: memref<1x128xf32, #tpu.memory_space<vmem>>, %arg5: memref<128x256xf32, #tpu.memory_space<vmem>>, %arg6: memref<400x128xf32, #tpu.memory_space<vmem>>, %arg7: memref<400x128xf32, #tpu.memory_space<vmem>>) attributes {dimension_semantics = [#tpu.dimension_semantics<arbitrary>], iteration_bounds = array<i64: 25>, scalar_prefetch = 0 : i64, scratch_operands = 0 : i64, tpu.core_type = #tpu.core_type<tc>, window_params = [{transform_indices = @transform_0, window_bounds = array<i64: 2, 400, 128>}, {transform_indices = @transform_1, window_bounds = array<i64: 2, 400, 128>}, {transform_indices = @transform_2, window_bounds = array<i64: 400, 128>}, {pipeline_mode = #tpu.pipeline_mode<synchronous>, transform_indices = @transform_3, window_bounds = array<i64: 1, 128>}, {pipeline_mode = #tpu.pipeline_mode<synchronous>, transform_indices = @transform_4, window_bounds = array<i64: 128, 256>}, {transform_indices = @transform_5, window_bounds = array<i64: 400, 128>}, {transform_indices = @transform_6, window_bounds = array<i64: 400, 128>}]} {
    %get3A = arith.constant 0 : index
    %get3A_0 = arith.constant 0 : index
    %get3A_1 = arith.constant 0 : index
    %get3A_2 = vector.load %arg1[%get3A, %get3A_0, %get3A_1] : memref<2x400x128xf32, #tpu.memory_space<vmem>>, vector<1x400x128xf32>
    %get3A_3 = vector.shape_cast %get3A_2 : vector<1x400x128xf32> to vector<400x128xf32>
    %get3A_4 = arith.constant 1 : index
    %get3A_5 = arith.constant 0 : index
    %get3A_6 = arith.constant 0 : index
    %get3A_7 = vector.load %arg1[%get3A_4, %get3A_5, %get3A_6] : memref<2x400x128xf32, #tpu.memory_space<vmem>>, vector<1x400x128xf32>
    %get3A_8 = vector.shape_cast %get3A_7 : vector<1x400x128xf32> to vector<400x128xf32>
    %add3A = arith.addf %get3A_3, %get3A_8 : vector<400x128xf32>
    %get3A_9 = arith.constant 0 : index
    %get3A_10 = arith.constant 0 : index
    %get3A_11 = arith.constant 0 : index
    %get3A_12 = vector.load %arg2[%get3A_9, %get3A_10, %get3A_11] : memref<2x400x128xf32, #tpu.memory_space<vmem>>, vector<1x400x1xf32>
    %get3A_13 = vector.shape_cast %get3A_12 : vector<1x400x1xf32> to vector<400x1xf32>
    %get3A_14 = arith.constant 1 : index
    %get3A_15 = arith.constant 0 : index
    %get3A_16 = arith.constant 0 : index
    %get3A_17 = vector.load %arg2[%get3A_14, %get3A_15, %get3A_16] : memref<2x400x128xf32, #tpu.memory_space<vmem>>, vector<1x400x1xf32>
    %get3A_18 = vector.shape_cast %get3A_17 : vector<1x400x1xf32> to vector<400x1xf32>
    %add3A_19 = arith.addf %get3A_13, %get3A_18 : vector<400x1xf32>
    %max3A = arith.constant 1.000000e+00 : f32
    %max3A_20 = vector.broadcast %max3A : f32 to vector<400x1xf32>
    %max3A_21 = arith.maximumf %add3A_19, %max3A_20 : vector<400x1xf32>
    %div3A = vector.broadcast %max3A_21 : vector<400x1xf32> to vector<400x128xf32>
    %div3A_22 = arith.divf %add3A, %div3A : vector<400x128xf32>
    %get3A_23 = arith.constant 0 : index
    %get3A_24 = arith.constant 0 : index
    %get3A_25 = vector.load %arg4[%get3A_23, %get3A_24] : memref<1x128xf32, #tpu.memory_space<vmem>>, vector<1x128xf32>
    %add3A_26 = vector.broadcast %get3A_25 : vector<1x128xf32> to vector<400x128xf32>
    %add3A_27 = arith.addf %div3A_22, %add3A_26 : vector<400x128xf32>
    %get3A_28 = arith.constant 0 : index
    %get3A_29 = arith.constant 0 : index
    %get3A_30 = vector.load %arg3[%get3A_28, %get3A_29] : memref<400x128xf32, #tpu.memory_space<vmem>>, vector<400x128xf32>
    %add3A_31 = arith.addf %add3A_27, %get3A_30 : vector<400x128xf32>
    %max3A_32 = arith.constant 0.000000e+00 : f32
    %max3A_33 = vector.broadcast %max3A_32 : f32 to vector<400x128xf32>
    %max3A_34 = arith.maximumf %add3A_31, %max3A_33 : vector<400x128xf32>
    %get3A_35 = arith.constant 0 : index
    %get3A_36 = arith.constant 0 : index
    %get3A_37 = vector.load %arg5[%get3A_35, %get3A_36] : memref<128x256xf32, #tpu.memory_space<vmem>>, vector<128x256xf32>
    %dot_general3A = arith.constant dense<0.000000e+00> : vector<400x256xf32>
    %dot_general3A_38 = tpu.matmul %max3A_34, %get3A_37, %dot_general3A {dimension_numbers = #tpu.dot_dimension_numbers<[1], [0], [0], [1], [0, 0, 1, 1], [], []>, precision = #tpu.contract_precision<fp32>, transpose_lhs_hint = false} : vector<400x128xf32>, vector<128x256xf32>, vector<400x256xf32> -> vector<400x256xf32>
    %slice3A = vector.extract_strided_slice %dot_general3A_38 {offsets = [0, 0], sizes = [400, 128], strides = [1, 1]} : vector<400x256xf32> to vector<400x128xf32>
    %swap3A = arith.constant 0 : index
    %swap3A_39 = arith.constant 0 : index
    %swap3A_40 = vector.load %arg6[%swap3A, %swap3A_39] : memref<400x128xf32, #tpu.memory_space<vmem>>, vector<400x128xf32>
    tpu.vector_store %arg6[%swap3A, %swap3A_39], %slice3A {strides = array<i32>} : memref<400x128xf32, #tpu.memory_space<vmem>>, vector<400x128xf32>,
    %slice3A_41 = vector.extract_strided_slice %dot_general3A_38 {offsets = [0, 128], sizes = [400, 128], strides = [1, 1]} : vector<400x256xf32> to vector<400x128xf32>
    %swap3A_42 = arith.constant 0 : index
    %swap3A_43 = arith.constant 0 : index
    %swap3A_44 = vector.load %arg7[%swap3A_42, %swap3A_43] : memref<400x128xf32, #tpu.memory_space<vmem>>, vector<400x128xf32>
    tpu.vector_store %arg7[%swap3A_42, %swap3A_43], %slice3A_41 {strides = array<i32>} : memref<400x128xf32, #tpu.memory_space<vmem>>, vector<400x128xf32>,
    return
  }
  func.func @transform_0(%arg0: i32) -> (i32, i32, i32) {
    %c0_i32 = arith.constant 0 : i32
    %c0_i32_0 = arith.constant 0 : i32
    %c0_i32_1 = arith.constant 0 : i32
    return %c0_i32, %arg0, %c0_i32_0 : i32, i32, i32
  }
  func.func @transform_1(%arg0: i32) -> (i32, i32, i32) {
    %c0_i32 = arith.constant 0 : i32
    %c0_i32_0 = arith.constant 0 : i32
    %c0_i32_1 = arith.constant 0 : i32
    return %c0_i32, %arg0, %c0_i32_0 : i32, i32, i32
  }
  func.func @transform_2(%arg0: i32) -> (i32, i32) {
    %c0_i32 = arith.constant 0 : i32
    %c0_i32_0 = arith.constant 0 : i32
    return %arg0, %c0_i32 : i32, i32
  }
  func.func @transform_3(%arg0: i32) -> (i32, i32) {
    %c0_i32 = arith.constant 0 : i32
    %c0_i32_0 = arith.constant 0 : i32
    %c0_i32_1 = arith.constant 0 : i32
    return %c0_i32, %c0_i32_0 : i32, i32
  }
  func.func @transform_4(%arg0: i32) -> (i32, i32) {
    %c0_i32 = arith.constant 0 : i32
    %c0_i32_0 = arith.constant 0 : i32
    %c0_i32_1 = arith.constant 0 : i32
    return %c0_i32, %c0_i32_0 : i32, i32
  }
  func.func @transform_5(%arg0: i32) -> (i32, i32) {
    %c0_i32 = arith.constant 0 : i32
    %c0_i32_0 = arith.constant 0 : i32
    return %arg0, %c0_i32 : i32, i32
  }
  func.func @transform_6(%arg0: i32) -> (i32, i32) {
    %c0_i32 = arith.constant 0 : i32
    %c0_i32_0 = arith.constant 0 : i32
    return %arg0, %c0_i32 : i32, i32
  }
}

module attributes {stable_mosaic.version = 14 : i64} {
  func.func @_final_body(%arg0: i32, %arg1: memref<2x400x128xf32, #tpu.memory_space<vmem>>, %arg2: memref<2x400x128xf32, #tpu.memory_space<vmem>>, %arg3: memref<400x128xf32, #tpu.memory_space<vmem>>, %arg4: memref<1x128xf32, #tpu.memory_space<vmem>>, %arg5: memref<400x128xf32, #tpu.memory_space<vmem>>) attributes {dimension_semantics = [#tpu.dimension_semantics<arbitrary>], iteration_bounds = array<i64: 25>, scalar_prefetch = 0 : i64, scratch_operands = 0 : i64, tpu.core_type = #tpu.core_type<tc>, window_params = [{transform_indices = @transform_0, window_bounds = array<i64: 2, 400, 128>}, {transform_indices = @transform_1, window_bounds = array<i64: 2, 400, 128>}, {transform_indices = @transform_2, window_bounds = array<i64: 400, 128>}, {pipeline_mode = #tpu.pipeline_mode<synchronous>, transform_indices = @transform_3, window_bounds = array<i64: 1, 128>}, {transform_indices = @transform_4, window_bounds = array<i64: 400, 128>}]} {
    %get3A = arith.constant 0 : index
    %get3A_0 = arith.constant 0 : index
    %get3A_1 = arith.constant 0 : index
    %get3A_2 = vector.load %arg1[%get3A, %get3A_0, %get3A_1] : memref<2x400x128xf32, #tpu.memory_space<vmem>>, vector<1x400x128xf32>
    %get3A_3 = vector.shape_cast %get3A_2 : vector<1x400x128xf32> to vector<400x128xf32>
    %get3A_4 = arith.constant 1 : index
    %get3A_5 = arith.constant 0 : index
    %get3A_6 = arith.constant 0 : index
    %get3A_7 = vector.load %arg1[%get3A_4, %get3A_5, %get3A_6] : memref<2x400x128xf32, #tpu.memory_space<vmem>>, vector<1x400x128xf32>
    %get3A_8 = vector.shape_cast %get3A_7 : vector<1x400x128xf32> to vector<400x128xf32>
    %add3A = arith.addf %get3A_3, %get3A_8 : vector<400x128xf32>
    %get3A_9 = arith.constant 0 : index
    %get3A_10 = arith.constant 0 : index
    %get3A_11 = arith.constant 0 : index
    %get3A_12 = vector.load %arg2[%get3A_9, %get3A_10, %get3A_11] : memref<2x400x128xf32, #tpu.memory_space<vmem>>, vector<1x400x1xf32>
    %get3A_13 = vector.shape_cast %get3A_12 : vector<1x400x1xf32> to vector<400x1xf32>
    %get3A_14 = arith.constant 1 : index
    %get3A_15 = arith.constant 0 : index
    %get3A_16 = arith.constant 0 : index
    %get3A_17 = vector.load %arg2[%get3A_14, %get3A_15, %get3A_16] : memref<2x400x128xf32, #tpu.memory_space<vmem>>, vector<1x400x1xf32>
    %get3A_18 = vector.shape_cast %get3A_17 : vector<1x400x1xf32> to vector<400x1xf32>
    %add3A_19 = arith.addf %get3A_13, %get3A_18 : vector<400x1xf32>
    %max3A = arith.constant 1.000000e+00 : f32
    %max3A_20 = vector.broadcast %max3A : f32 to vector<400x1xf32>
    %max3A_21 = arith.maximumf %add3A_19, %max3A_20 : vector<400x1xf32>
    %div3A = vector.broadcast %max3A_21 : vector<400x1xf32> to vector<400x128xf32>
    %div3A_22 = arith.divf %add3A, %div3A : vector<400x128xf32>
    %get3A_23 = arith.constant 0 : index
    %get3A_24 = arith.constant 0 : index
    %get3A_25 = vector.load %arg4[%get3A_23, %get3A_24] : memref<1x128xf32, #tpu.memory_space<vmem>>, vector<1x128xf32>
    %add3A_26 = vector.broadcast %get3A_25 : vector<1x128xf32> to vector<400x128xf32>
    %add3A_27 = arith.addf %div3A_22, %add3A_26 : vector<400x128xf32>
    %get3A_28 = arith.constant 0 : index
    %get3A_29 = arith.constant 0 : index
    %get3A_30 = vector.load %arg3[%get3A_28, %get3A_29] : memref<400x128xf32, #tpu.memory_space<vmem>>, vector<400x128xf32>
    %add3A_31 = arith.addf %add3A_27, %get3A_30 : vector<400x128xf32>
    %logistic3A = arith.negf %add3A_31 : vector<400x128xf32>
    %logistic3A_32 = math.exp %logistic3A : vector<400x128xf32>
    %logistic3A_33 = arith.constant 1.000000e+00 : f32
    %logistic3A_34 = vector.broadcast %logistic3A_33 : f32 to vector<400x128xf32>
    %logistic3A_35 = arith.addf %logistic3A_34, %logistic3A_32 : vector<400x128xf32>
    %logistic3A_36 = arith.divf %logistic3A_34, %logistic3A_35 : vector<400x128xf32>
    %swap3A = arith.constant 0 : index
    %swap3A_37 = arith.constant 0 : index
    %swap3A_38 = vector.load %arg5[%swap3A, %swap3A_37] : memref<400x128xf32, #tpu.memory_space<vmem>>, vector<400x128xf32>
    tpu.vector_store %arg5[%swap3A, %swap3A_37], %logistic3A_36 {strides = array<i32>} : memref<400x128xf32, #tpu.memory_space<vmem>>, vector<400x128xf32>,
    return
  }
  func.func @transform_0(%arg0: i32) -> (i32, i32, i32) {
    %c0_i32 = arith.constant 0 : i32
    %c0_i32_0 = arith.constant 0 : i32
    %c0_i32_1 = arith.constant 0 : i32
    return %c0_i32, %arg0, %c0_i32_0 : i32, i32, i32
  }
  func.func @transform_1(%arg0: i32) -> (i32, i32, i32) {
    %c0_i32 = arith.constant 0 : i32
    %c0_i32_0 = arith.constant 0 : i32
    %c0_i32_1 = arith.constant 0 : i32
    return %c0_i32, %arg0, %c0_i32_0 : i32, i32, i32
  }
  func.func @transform_2(%arg0: i32) -> (i32, i32) {
    %c0_i32 = arith.constant 0 : i32
    %c0_i32_0 = arith.constant 0 : i32
    return %arg0, %c0_i32 : i32, i32
  }
  func.func @transform_3(%arg0: i32) -> (i32, i32) {
    %c0_i32 = arith.constant 0 : i32
    %c0_i32_0 = arith.constant 0 : i32
    %c0_i32_1 = arith.constant 0 : i32
    return %c0_i32, %c0_i32_0 : i32, i32
  }
  func.func @transform_4(%arg0: i32) -> (i32, i32) {
    %c0_i32 = arith.constant 0 : i32
    %c0_i32_0 = arith.constant 0 : i32
    return %arg0, %c0_i32 : i32, i32
  }
}

</mosaic_0001>

<sc_bundles>
// kernel: kernel.11.cloned.1.call-start
scs
__scs_entry_jumppad:
0x0: {  	(pc) =	sbr.rel $0x88, $3  }
0x1: {  	(tag) =	ssettag $0x0;
	lr =	simm.s32 $0x1  }
0x2: {  	[smem:$0x3F99] =	sst lr;
	_ =	strace $0xD0000000  }
0x3: {  	_ = 	snop  }
0x4: {  	_ = 	snop  }
0x5: {  	_ = 	snop  }
0x6: {  	_ = 	snop  }
0x7: {  	_ = 	snop  }
__scs_overlays_trampoline_lowered:
0x8: {  	[smem:$0x3FA8] =	sst s0  }
0x9: {  	[smem:$0x3FA9] =	sst s1  }
0xa: {  	[smem:$0x3FAA] =	sst s2  }
0xb: {  	[smem:$0x3FAB] =	sst s3  }
0xc: {  	[smem:$0x3FAC] =	sst s4  }
0xd: {  	[smem:$0x3FAD] =	sst s5  }
0xe: {  	[smem:$0x3FAE] =	sst s6  }
0xf: {  	[smem:$0x3FAF] =	sst s7  }
0x10: {  	[smem:$0x3FB0] =	sst s8  }
0x11: {  	[smem:$0x3FB1] =	sst s9;
	s0 =	simm.s32 @!p0 $0x0  }
0x12: {  	s1 =	sld [smem:$0x3F97];
	s0 =	simm.s32 @p0 $0x1  }
0x13: {  	[smem:$0x3FB2] =	sst s0;
	s0 =	simm.s32 @!p1 $0x0  }
0x14: {  	s2 =	sld [smem:$0x3F96];
	s0 =	simm.s32 @p1 $0x1  }
0x15: {  	[smem:$0x3FB3] =	sst s0;
	s0 =	simm.s32 @!p2 $0x0  }
0x16: {  	s3 =	sld [smem:$0x3FDB];
	s0 =	simm.s32 @p2 $0x1  }
0x17: {  	s4 =	simm.s32 $0x1BF5;
	[smem:$0x3FB5] =	sst s0  }
0x18: {  	s0 =	sld [smem:$0x3F98];
	_ =	swait.ge [sflag:s4], $0x0  }
0x19: {  	s7 =	sld [smem:$0x3F99]  }
0x1a: {  	s8 =	sadd.s32 $0xFFFFE003, lr  }
0x1b: {  	s9 =	sadd.s32 $0xFFFFFEF7, lr;
	s5 =	simm.s32 $0xFFFFFFFF;
	p2 =	slt.u32 s8, $0xFFFFF086  }
0x1c: {  	p1 =	slt.u32 s9, $0xF7A;
	s5 =	simm.s32 @!p2 $0x0  }
0x1d: {  	s5 =	simm.s32 @p1 $0x1;
	p0 =	seq.s32 s7, s2  }
0x1e: {  	s7 =	smul.u32 @!p0 $0xF7A, s2;
	p2 =	seq.s32 @!p0 s5, $0x0  }
0x1f: {  	s9 =	smul.u32 $0xF7A, s1;
	s8 =	simm.s32 @!p0 $0x1BF5;
	p2 =	por !p2, p0  }
0x20: {  	[sflag:s8] =	ssyncset.s32 @!p0 $0xFFFFF086;
	s6 =	sadd.s32 @!p0 s3, s7;
	s7 =	simm.s32 @!p0 $0x108  }
0x21: {  	s3 =	sadd.s32 s3, s9;
	s6 =	sadd.s32 @!p0 $0x88, s6;
	s7 =	simm.s32 @p2 $0x1082  }
0x22: {  	[simem:s7], [sflag:s8] =	dma.local @!p0 [hbm:s6], $0xF7A  }
0x23: {  	s9 =	sor.u32 $0xD0000000, s2;
	s6 =	simm.s32 $0x108;
	_ =	swait.ge @!p0 [sflag:s8], $0x0  }
0x24: {  	s3 =	sadd.s32 $0x88, s3;
	s6 =	simm.s32 @!p1 $0x1082;
	[sflag:s4] =	ssyncset.s32 $0xFFFFF086  }
0x25: {  	[simem:s6], [sflag:s4] =	dma.local [hbm:s3], $0xF7A  }
0x26: {  	[smem:$0x3F99] =	sst s1;
	(tag) =	ssettag s2;
	_ =	strace s9  }
0x27: {  	s1 =	sld [smem:$0x3FA9]  }
0x28: {  	s2 =	sld [smem:$0x3FAA]  }
0x29: {  	s4 =	sld [smem:$0x3FAC]  }
0x2a: {  	p0 =	seq.s32 s5, $0x0;
	s5 =	sld [smem:$0x3FAD]  }
0x2b: {  	s6 =	sld [smem:$0x3FAE]  }
0x2c: {  	s7 =	sld [smem:$0x3FAF]  }
0x2d: {  	s3 =	simm.s32 $0x108;
	s8 =	sld [smem:$0x3FB0]  }
0x2e: {  	s3 =	simm.s32 @!p0 $0x1082;
	s9 =	sld [smem:$0x3FB1]  }
0x2f: {  	lr =	sadd.s32 s0, s3;
	s0 =	sld [smem:$0x3FA8]  }
0x30: {  	s3 =	sld [smem:$0x3FAB]  }
0x31: {  	[smem:$0x3FB4] =	sst s10  }
0x32: {  	s10 =	sld [smem:$0x3FB2];
	_ =	sdelay $0x3  }
0x33: {  	p0 =	seq.s32 s10, $0x1;
	s10 =	sld [smem:$0x3FB4];
	_ =	sdelay $0x3  }
0x34: {  	[smem:$0x3FB4] =	sst s10  }
0x35: {  	s10 =	sld [smem:$0x3FB3];
	_ =	sdelay $0x3  }
0x36: {  	p1 =	seq.s32 s10, $0x1;
	s10 =	sld [smem:$0x3FB4];
	_ =	sdelay $0x3  }
0x37: {  	[smem:$0x3FB4] =	sst s10  }
0x38: {  	s10 =	sld [smem:$0x3FB5]  }
0x39: {  	_ = 	snop;
	(pc) =	sbr.ind lr, $3  }
0x3a: {  	_ = 	snop  }
0x3b: {  	_ = 	snop  }
0x3c: {  	p2 =	seq.s32 s10, $0x1;
	s10 =	sld [smem:$0x3FB4]  }
0x3d: {  	_ =	shalt  }
0x3e: {  	_ =	shalt  }
0x3f: {  	_ =	shalt  }
0x40: {  	_ =	shalt  }
0x41: {  	_ =	shalt  }
0x42: {  	_ =	shalt  }
0x43: {  	_ =	shalt  }
0x44: {  	_ =	shalt  }
0x45: {  	_ =	shalt  }
0x46: {  	_ =	shalt  }
0x47: {  	_ =	shalt  }
0x48: {  	_ =	shalt  }
0x49: {  	_ =	shalt  }
0x4a: {  	_ =	shalt  }
0x4b: {  	_ =	shalt  }
0x4c: {  	_ =	shalt  }
0x4d: {  	_ =	shalt  }
0x4e: {  	_ =	shalt  }
0x4f: {  	_ =	shalt  }
0x50: {  	_ =	shalt  }
0x51: {  	_ =	shalt  }
0x52: {  	_ =	shalt  }
0x53: {  	_ =	shalt  }
0x54: {  	_ =	shalt  }
0x55: {  	_ =	shalt  }
0x56: {  	_ =	shalt  }
0x57: {  	_ =	shalt  }
0x58: {  	_ =	shalt  }
0x59: {  	_ =	shalt  }
0x5a: {  	_ =	shalt  }
0x5b: {  	_ =	shalt  }
0x5c: {  	_ =	shalt  }
0x5d: {  	_ =	shalt  }
0x5e: {  	_ =	shalt  }
0x5f: {  	_ =	shalt  }
0x60: {  	_ =	shalt  }
0x61: {  	_ =	shalt  }
0x62: {  	_ =	shalt  }
0x63: {  	_ =	shalt  }
0x64: {  	_ =	shalt  }
0x65: {  	_ =	shalt  }
0x66: {  	_ =	shalt  }
0x67: {  	_ =	shalt  }
0x68: {  	_ =	shalt  }
0x69: {  	_ =	shalt  }
0x6a: {  	_ =	shalt  }
0x6b: {  	_ =	shalt  }
0x6c: {  	_ =	shalt  }
0x6d: {  	_ =	shalt  }
0x6e: {  	_ =	shalt  }
0x6f: {  	_ =	shalt  }
0x70: {  	_ =	shalt  }
0x71: {  	_ =	shalt  }
0x72: {  	_ =	shalt  }
0x73: {  	_ =	shalt  }
0x74: {  	_ =	shalt  }
0x75: {  	_ =	shalt  }
0x76: {  	_ =	shalt  }
0x77: {  	_ =	shalt  }
0x78: {  	_ =	shalt  }
0x79: {  	_ =	shalt  }
0x7a: {  	_ =	shalt  }
0x7b: {  	_ =	shalt  }
0x7c: {  	_ =	shalt  }
0x7d: {  	_ =	shalt  }
0x7e: {  	_ =	shalt  }
0x7f: {  	_ =	shalt  }
0x80: {  	_ =	shalt  }
0x81: {  	_ =	shalt  }
0x82: {  	_ =	shalt  }
0x83: {  	_ =	shalt  }
0x84: {  	_ =	shalt  }
0x85: {  	_ =	shalt  }
0x86: {  	_ =	shalt  }
0x87: {  	_ =	shalt  }
.Lfunc_end0:
.L_simem_size_0:
called_computation.1_lowered:
.L_overlay_start_0:
0x88: {  	s2 =	sld [smem:$0x3FD9]  }
0x89: {  	s3 =	sld [smem:$0x3FFE];
	_ =	sdelay $0x1  }
0x8a: {  	s1 =	srdreg.scid  }
0x8b: {  	s0 =	sand.u32 $0x1, s1  }
0x8c: {  	s17 =	sshll.u32 s0, $0xA;
	s2 =	sadd.s32 s3, s2  }
0x8d: {  	s2 =	sadd.s32 s2, s17  }
0x8e: {  	[smem:$0x3FC0] =	sst s2  }
0x8f: {  	_ = 	snop  }
0x90: {  	s2 =	sld [smem:$0x3FD0];
	(tm) =	ssettm $0x1  }
0x91: {  	s18 =	sld [smem:$0x3FFB];
	_ =	sdelay $0x3  }
0x92: {  	_ =	strace s18  }
0x93: {  	s3 =	sld [smem:$0x3FFC];
	_ =	sdelay $0x3  }
0x94: {  	_ =	strace s3  }
0x95: {  	s3 =	sld [smem:$0x3FFD];
	_ =	sdelay $0x3  }
0x96: {  	_ =	strace s3  }
0x97: {  	_ =	strace $0x8FFFFFFF  }
0x98: {  	s19 =	sld [smem:$0x3FDB];
	_ =	sdelay $0x1  }
0x99: {  	s4 =	simm.s32 $_scs_section_size  }
0x9a: {  	s5 =	simm.s32 $_size__tile_overlayer_lowered;
	s6 =	simm.s32 $_tile_overlayer_lowered  }
0x9b: {  	s22 =	simm.s32 $0x1BFF;
	s21 =	sshll.u32 s6, $0x1;
	s3 =	sadd.s32 s4, s19  }
0x9c: {  	s7 =	simm.s32 $0x0;
	s20 =	sshll.u32 s5, $0x1;
	s5 =	sadd.s32 s21, s3  }
0x9d: {  	[timem:s7], [sflag:s22] =	dma.local [hbm:s5], s20  }
0x9e: {  	_ =	swait.ge [sflag:s22], s20  }
0x9f: {  	s4 =	ssub.s32 $0x0, s20;
	[sflag:s22] =	ssyncset.done $0x0  }
0xa0: {  	[sflag:s22] =	ssyncadd.s32 s4;
	_ =	sdelay $0x1  }
0xa1: {  	s23 =	simm.s32 $0x1B8B  }
0xa2: {  	_ =	swait.ge [sflag:s23], $0x1  }
0xa3: {  	[sflag:s23] =	ssyncset.done $0x0  }
0xa4: {  	s25 =	simm.s32 $0x1B8E;
	s24 =	sld [smem:$0x3FFE];
	[sflag:s23] =	ssyncadd.s32 $0xFFFFFFFF  }
0xa5: {  	s26 =	simm.s32 $execute0_lowered;
	[smem:$0x3FD2] =	sst s25  }
0xa6: {  	s5 =	sshll.u32 s26, $0x1;
	_ =	strace $0x80000046;
	[dreg:$0x1] =	wrdreg $0xFFFFFFFF  }
0xa7: {  	s28 =	simm.s32 $_size_execute0_lowered;
	s3 =	sadd.s32 s3, s5;
	[dreg:$0x0] =	wrdreg $0x0  }
0xa8: {  	s5 =	sshll.u32 s28, $0x1;
	[dreg:$0x2] =	wrdreg s3  }
0xa9: {  	[dreg:$0x3] =	wrdreg s5  }
0xaa: {  	[dreg:$0x4] =	wrdreg $0xC0  }
0xab: {  	_ =	task [dreg:s7], $0x5FFFF  }
0xac: {  	[dreg:$0x1] =	wrdreg $0xFFFFFFFF  }
0xad: {  	[dreg:$0x0] =	wrdreg $0x60  }
0xae: {  	[dreg:$0x2] =	wrdreg s2  }
0xaf: {  	[dreg:$0x3] =	wrdreg s24  }
0xb0: {  	[dreg:$0x4] =	wrdreg $0x90000  }
0xb1: {  	[dreg:$0x5] =	wrdreg $0xA  }
0xb2: {  	_ =	task.clear_ibuf [dreg:s7], $0x6FFFF;
	_ =	strace $0x90000046  }
0xb3: {  	s29 =	simm.s32 $0xA;
	_ =	strace $0x80000048  }
0xb4: {  	_ =	swait.ge [sflag:s29], $0x1  }
0xb5: {  	[sflag:s29] =	ssyncadd.s32 $0xFFFFFFFF  }
0xb6: {  	_ =	strace $0x90000048  }
0xb7: {  	_ =	sfence  }
0xb8: {  	s30 =	sld [smem:$0x0];
	_ =	sdelay $0x2  }
0xb9: {  	s31 =	sshll.u32 s1, $0xD;
	s1 =	sshrl.u32 s1, $0x2  }
0xba: {  	s3 =	sand.u32 $0x4000, s31;
	s1 =	sadd.s32 s1, s30  }
0xbb: {  	s0 =	sor.u32 s3, s0;
	s1 =	sshll.u32 s1, $0x11  }
0xbc: {  	s0 =	sor.u32 s1, s0  }
0xbd: {  	s0 =	sadd.s32 $0x8F2B, s0  }
0xbe: {  	[sflag:s0] =	ssyncadd.remote.s32 $0x1  }
0xbf: {  	_ =	sfence.sel $0xFFFF  }
0xc0: {  	[dreg:$0x0] =	wrdreg $0xFFFFFFFF;
	(pc) =	sbr.abs _section_cstart, $3  }
0xc1: {  	[dreg:$0x1] =	wrdreg $0xFFFFFFFF  }
0xc2: {  	_ =	task.clear_ibuf [dreg:s7], $0x2FFFF;
	_ =	strace $0x9FFFFFFF  }
0xc3: {  	(tm) =	ssettm $0x7FFFFFFF  }
tec
execute0_lowered:
.L_overlay_start_1:
0x0: {  	(tag) =	ssettag $0x1  }
0x1: {  	s1 =	rddreg [dreg:$0x0]  }
0x2: {  	s2 =	srdreg.scid;
	s7 =	rddreg [dreg:$0x1]  }
0x3: {  	s0 =	stileid.u32;
	s3 =	rddreg [dreg:$0x2];
	s4 =	simm.s32 $0x0  }
0x4: {  	s15 =	simm.s32 $0x2;
	s16 =	simm.s32 $0x2800;
	s17 =	simm.s32 $0x80  }
0x5: {  	s18 =	simm.s32 $0x1;
	s22 =	simm.s32 $0x0;
	s5 =	sand.u32 $0x1, s2  }
0x6: {  	s28 =	sshll.u32 s0, $0x1;
	s2 =	rddreg [dreg:$0x3];
	s8 =	smul.u32 $0x4F000, s0  }
0x7: {  	[smem:$0x7FF] =	sst s4;
	s20 =	smul.u32 $0x2780, s0;
	s31 =	sshll.u32 s0, $0x6  }
0x8: {  	s6 =	sor.u32 s5, s28;
	_ =	strace $0x80000047;
	s9 =	smul.u32 $0x27800, s5  }
0x9: {  	s10 =	ssub.s32 $0x2, s5;
	s5 =	sadd.s32 $0x15E00, s7;
	s6 =	smul.u32 $0x500, s6  }
0xa: {  	s29 =	sshrl.u32 s8, $0x2;
	s30 =	sshrl.u32 s10, $0x1;
	s13 =	sadd.s32 s9, s7  }
0xb: {  	s14 =	ssub.s32 s10, s30;
	s12 =	sadd.s32 s6, s7;
	s6 =	sadd.s32 s29, s3  }
0xc: {  	s19 =	sadd.s32 $0x16600, s13;
	s13 =	smax.u32 s14, $0x1;
	s14 =	simm.s32 $0x5000  }
0xd: {  	s7 =	sadd.s32 $0x4000, s6;
	s8 =	sadd.s32 $0x8000, s6;
	s9 =	sadd.s32 $0xC000, s6  }
0xe: {  	s10 =	sadd.s32 $0x10000, s6;
	s11 =	sadd.s32 $0xBE00, s12;
	s12 =	sadd.s32 $0x1E00, s12  }
0xf: {  	s19 =	sadd.s32 s20, s19;
	s20 =	sor.u32 $0x1C02, s31;
	s21 =	sshrl.u32 s6, $0x3  }
.LBB2_1:
0x10: {  	[tilespmem:s14], [sflag:$0x2] =	stream.linear.gather [hbm4b:s5+s4], $0x4000, $0x38;
	[tilespmem:$0x1CC00] =	vst v63  }
0x11: {  	_ =	swait.ge [sflag:s15], $0x4000  }
0x12: {  	[sflag:s15] =	ssyncset.done $0x0  }
0x13: {  	[sflag:s15] =	ssyncadd.s32 $0xFFFFC000  }
0x14: {  	[spmem:s6] =	stream.linear.scatter [tilespmem:s14], [sflag:$0x2], $0x4000, $0x38;
	[tilespmem:$0x1CC00] =	vst v63  }
0x15: {  	_ =	swait.ge [sflag:s15], $0x4000  }
0x16: {  	[sflag:s15] =	ssyncset.done $0x0  }
0x17: {  	[sflag:s15] =	ssyncadd.s32 $0xFFFFC000  }
0x18: {  	[spmem:s7] =	stream.linear.scatter [tilespmem:s14], [sflag:$0x2], $0x4000, $0x38;
	[tilespmem:$0x1CC00] =	vst v63  }
0x19: {  	_ =	swait.ge [sflag:s15], $0x4000  }
0x1a: {  	[sflag:s15] =	ssyncset.done $0x0  }
0x1b: {  	[sflag:s15] =	ssyncadd.s32 $0xFFFFC000  }
0x1c: {  	[spmem:s8] =	stream.linear.scatter [tilespmem:s14], [sflag:$0x2], $0x4000, $0x38;
	[tilespmem:$0x1CC00] =	vst v63  }
0x1d: {  	_ =	swait.ge [sflag:s15], $0x4000  }
0x1e: {  	[sflag:s15] =	ssyncset.done $0x0  }
0x1f: {  	[sflag:s15] =	ssyncadd.s32 $0xFFFFC000  }
0x20: {  	[spmem:s9] =	stream.linear.scatter [tilespmem:s14], [sflag:$0x2], $0x4000, $0x38;
	[tilespmem:$0x1CC00] =	vst v63  }
0x21: {  	_ =	swait.ge [sflag:s15], $0x4000  }
0x22: {  	[sflag:s15] =	ssyncset.done $0x0  }
0x23: {  	[sflag:s15] =	ssyncadd.s32 $0xFFFFC000  }
0x24: {  	[spmem:s10] =	stream.linear.scatter [tilespmem:s14], [sflag:$0x2], $0x3C00, $0x38;
	[tilespmem:$0x1CC00] =	vst v63  }
0x25: {  	_ =	swait.ge [sflag:s15], $0x3C00  }
0x26: {  	[sflag:s15] =	ssyncset.done $0x0  }
0x27: {  	[sflag:s15] =	ssyncadd.s32 $0xFFFFC400  }
0x28: {  	[bflag:$0x0] =	sbarrier.arrive $0xFFFF  }
0x29: {  	[tilespmem:s4], [sflag:$0x2] =	stream.linear.gather [hbm4b:s11+s4], $0x2780, $0x38;
	[tilespmem:$0x1CC00] =	vst v63  }
0x2a: {  	_ =	swait.ge [sflag:s15], $0x2780  }
0x2b: {  	[sflag:s15] =	ssyncset.done $0x0  }
0x2c: {  	[sflag:s15] =	ssyncadd.s32 $0xFFFFD880  }
0x2d: {  	[tilespmem:s16], [sflag:$0x2] =	stream.linear.gather [hbm4b:s12+s4], $0x2780, $0x38;
	[tilespmem:$0x1CC00] =	vst v63  }
0x2e: {  	_ =	swait.ge [sflag:s15], $0x2780  }
0x2f: {  	[sflag:s15] =	ssyncset.done $0x0  }
0x30: {  	s23 =	simm.s32 $0x0;
	[sflag:s15] =	ssyncadd.s32 $0xFFFFD880  }
0x31: {  	[tilespmem:s14], [sflag:$0x1] =	stream.indirect.gather [hbm4b:s1+s17], $0x80, s23, s17, $0xb8;
	[tilespmem:$0x1CC00] =	vst v63  }
0x32: {  	_ =	swait.ge [sflag:s18], $0x4000  }
0x33: {  	[sflag:s18] =	ssyncset.done $0x0  }
0x34: {  	s31 =	simm.s32 $0x2800;
	[sflag:s18] =	ssyncadd.s32 $0xFFFFC000  }
0x35: {  	[spmem:s3] =	stream.indirect.scatter.add.f32 [tilespmem:s14], [sflag:$0x2], $0x80, s31, s17, $0xb8;
	[tilespmem:$0x1CC00] =	vst v63  }
0x36: {  	_ =	swait.ge [sflag:s15], $0x4000  }
0x37: {  	s24 =	simm.s32 $0x400;
	s23 =	simm.s32 $0x200;
	[sflag:s15] =	ssyncset.done $0x0  }
.LBB2_2:
0x38: {  	s25 =	sshra.s32 s23, $0x2  }
0x39: {  	[sflag:s15] =	ssyncadd.s32 $0xFFFFC000;
	s23 =	smov.u32 s24;
	s26 =	sadd.s32 $0x200, s24  }
0x3a: {  	[tilespmem:s14], [sflag:$0x1] =	stream.indirect.gather [hbm4b:s1+s17], $0x80, s25, s17, $0xb8;
	[tilespmem:$0x1CC00] =	vst v63  }
0x3b: {  	p0 =	sne.s32 s24, $0x9C00;
	_ =	swait.ge [sflag:s18], $0x4000  }
.Ltmp0:
0x3c: {  	[sflag:s18] =	ssyncset.done $0x0;
	(pc) =	sbr.rel @p0 .LBB2_2-.Ltmp0, $4  }
0x3d: {  	s24 =	sadd.s32 $0x2800, s25;
	[sflag:s18] =	ssyncadd.s32 $0xFFFFC000  }
0x3e: {  	[spmem:s3] =	stream.indirect.scatter.add.f32 [tilespmem:s14], [sflag:$0x2], $0x80, s24, s17, $0xb8;
	[tilespmem:$0x1CC00] =	vst v63  }
0x3f: {  	_ =	swait.ge [sflag:s15], $0x4000  }
0x40: {  	s24 =	smov.u32 s26;
	[sflag:s15] =	ssyncset.done $0x0  }
0x41: {  	s23 =	sshra.s32 s23, $0x2;
	[sflag:s15] =	ssyncadd.s32 $0xFFFFC000  }
0x42: {  	[tilespmem:s14], [sflag:$0x1] =	stream.indirect.gather [hbm4b:s1+s17], $0x80, s23, s17, $0xb8;
	[tilespmem:$0x1CC00] =	vst v63  }
0x43: {  	_ =	swait.ge [sflag:s18], $0x4000  }
0x44: {  	[sflag:s18] =	ssyncset.done $0x0  }
0x45: {  	s23 =	sadd.s32 $0x2800, s23;
	[sflag:s18] =	ssyncadd.s32 $0xFFFFC000  }
0x46: {  	[spmem:s3] =	stream.indirect.scatter.add.f32 [tilespmem:s14], [sflag:$0x2], $0x80, s23, s17, $0xb8;
	[tilespmem:$0x1CC00] =	vst v63  }
0x47: {  	_ =	swait.ge [sflag:s15], $0x4000  }
0x48: {  	s22 =	sadd.s32 $0x1, s22;
	[sflag:s15] =	ssyncset.done $0x0  }
0x49: {  	p0 =	sne.s32 s22, s13;
	[sflag:s15] =	ssyncadd.s32 $0xFFFFC000  }
.Ltmp1:
0x4a: {  	[bflag:$0x0] =	sbarrier.arrive $0xFFFF;
	(pc) =	sbr.rel @p0 .LBB2_1-.Ltmp1, $4  }
0x4b: {  	[hbm:s19], [sflag:s20] =	dma.local [spmem:s21], $0x2780  }
0x4c: {  	_ =	swait.ge [sflag:s15], $0x2780  }
0x4d: {  	[sflag:s15] =	ssyncset.done $0x0  }
0x4e: {  	[sflag:s15] =	ssyncadd.s32 $0xFFFFD880  }
0x4f: {  	_ =	sfence.sel $0x180000  }
0x50: {  	[bflag:$0x0] =	sbarrier.arrive $0xFFFF  }
0x51: {  	p0 =	sne.s32 s0, $0x0;
	_ =	strace $0x90000047  }
0x52: {  	s0 =	sadd.s32 @!p0 $0x100000, s2;
	[bflag:$0x2] =	sbarrier.arrive $0xFFFF  }
0x53: {  	[sflag:s0] =	ssyncadd.tile.s32 @!p0 $0x1;
	_ =	shalt  }
.Lfunc_end2:
_tile_overlayer_lowered:
.L_overlay_start_2:
0x54: {  	(tag) =	ssettag $0x2  }
0x55: {  	s0 =	rddreg [dreg:$0x0];
	s2 =	stileid.u32  }
0x56: {  	s1 =	rddreg [dreg:$0x1];
	p0 =	sne.s32 s2, $0x0  }
0x57: {  	s3 =	rddreg [dreg:$0x2];
	[bflag:$0x3] =	sbarrier.arrive $0xFFFF;
	s2 =	simm.s32 @!p0 $0x1C02  }
0x58: {  	[timem:s3], [sflag:s2] =	dma.local @!p0 [hbm:s0], s1  }
0x59: {  	s0 =	simm.s32 @!p0 $0x2  }
0x5a: {  	_ =	swait.ge @!p0 [sflag:s0], s1  }
0x5b: {  	s1 =	ssub.s32 @!p0 $0x0, s1;
	[sflag:s0] =	ssyncset.done @!p0 $0x0  }
0x5c: {  	[sflag:s0] =	ssyncadd.s32 @!p0 s1  }
0x5d: {  	[bflag:$0x3] =	sbarrier.arrive $0xFFFF  }
0x5e: {  	_ =	shalt  }

// kernel: kernel.14.cloned.1.call-start
scs
__scs_entry_jumppad:
0x0: {  	(pc) =	sbr.rel $0x88, $3  }
0x1: {  	(tag) =	ssettag $0x0;
	lr =	simm.s32 $0x1  }
0x2: {  	[smem:$0x3F99] =	sst lr;
	_ =	strace $0xD0000000  }
0x3: {  	_ = 	snop  }
0x4: {  	_ = 	snop  }
0x5: {  	_ = 	snop  }
0x6: {  	_ = 	snop  }
0x7: {  	_ = 	snop  }
__scs_overlays_trampoline_lowered:
0x8: {  	[smem:$0x3FA8] =	sst s0  }
0x9: {  	[smem:$0x3FA9] =	sst s1  }
0xa: {  	[smem:$0x3FAA] =	sst s2  }
0xb: {  	[smem:$0x3FAB] =	sst s3  }
0xc: {  	[smem:$0x3FAC] =	sst s4  }
0xd: {  	[smem:$0x3FAD] =	sst s5  }
0xe: {  	[smem:$0x3FAE] =	sst s6  }
0xf: {  	[smem:$0x3FAF] =	sst s7  }
0x10: {  	[smem:$0x3FB0] =	sst s8  }
0x11: {  	[smem:$0x3FB1] =	sst s9;
	s0 =	simm.s32 @!p0 $0x0  }
0x12: {  	s1 =	sld [smem:$0x3F97];
	s0 =	simm.s32 @p0 $0x1  }
0x13: {  	[smem:$0x3FB2] =	sst s0;
	s0 =	simm.s32 @!p1 $0x0  }
0x14: {  	s2 =	sld [smem:$0x3F96];
	s0 =	simm.s32 @p1 $0x1  }
0x15: {  	[smem:$0x3FB3] =	sst s0;
	s0 =	simm.s32 @!p2 $0x0  }
0x16: {  	s3 =	sld [smem:$0x3FDB];
	s0 =	simm.s32 @p2 $0x1  }
0x17: {  	s4 =	simm.s32 $0x1BF5;
	[smem:$0x3FB5] =	sst s0  }
0x18: {  	s0 =	sld [smem:$0x3F98];
	_ =	swait.ge [sflag:s4], $0x0  }
0x19: {  	s7 =	sld [smem:$0x3F99]  }
0x1a: {  	s8 =	sadd.s32 $0xFFFFE003, lr  }
0x1b: {  	s9 =	sadd.s32 $0xFFFFFEF7, lr;
	s5 =	simm.s32 $0xFFFFFFFF;
	p2 =	slt.u32 s8, $0xFFFFF086  }
0x1c: {  	p1 =	slt.u32 s9, $0xF7A;
	s5 =	simm.s32 @!p2 $0x0  }
0x1d: {  	s5 =	simm.s32 @p1 $0x1;
	p0 =	seq.s32 s7, s2  }
0x1e: {  	s7 =	smul.u32 @!p0 $0xF7A, s2;
	p2 =	seq.s32 @!p0 s5, $0x0  }
0x1f: {  	s9 =	smul.u32 $0xF7A, s1;
	s8 =	simm.s32 @!p0 $0x1BF5;
	p2 =	por !p2, p0  }
0x20: {  	[sflag:s8] =	ssyncset.s32 @!p0 $0xFFFFF086;
	s6 =	sadd.s32 @!p0 s3, s7;
	s7 =	simm.s32 @!p0 $0x108  }
0x21: {  	s3 =	sadd.s32 s3, s9;
	s6 =	sadd.s32 @!p0 $0x88, s6;
	s7 =	simm.s32 @p2 $0x1082  }
0x22: {  	[simem:s7], [sflag:s8] =	dma.local @!p0 [hbm:s6], $0xF7A  }
0x23: {  	s9 =	sor.u32 $0xD0000000, s2;
	s6 =	simm.s32 $0x108;
	_ =	swait.ge @!p0 [sflag:s8], $0x0  }
0x24: {  	s3 =	sadd.s32 $0x88, s3;
	s6 =	simm.s32 @!p1 $0x1082;
	[sflag:s4] =	ssyncset.s32 $0xFFFFF086  }
0x25: {  	[simem:s6], [sflag:s4] =	dma.local [hbm:s3], $0xF7A  }
0x26: {  	[smem:$0x3F99] =	sst s1;
	(tag) =	ssettag s2;
	_ =	strace s9  }
0x27: {  	s1 =	sld [smem:$0x3FA9]  }
0x28: {  	s2 =	sld [smem:$0x3FAA]  }
0x29: {  	s4 =	sld [smem:$0x3FAC]  }
0x2a: {  	p0 =	seq.s32 s5, $0x0;
	s5 =	sld [smem:$0x3FAD]  }
0x2b: {  	s6 =	sld [smem:$0x3FAE]  }
0x2c: {  	s7 =	sld [smem:$0x3FAF]  }
0x2d: {  	s3 =	simm.s32 $0x108;
	s8 =	sld [smem:$0x3FB0]  }
0x2e: {  	s3 =	simm.s32 @!p0 $0x1082;
	s9 =	sld [smem:$0x3FB1]  }
0x2f: {  	lr =	sadd.s32 s0, s3;
	s0 =	sld [smem:$0x3FA8]  }
0x30: {  	s3 =	sld [smem:$0x3FAB]  }
0x31: {  	[smem:$0x3FB4] =	sst s10  }
0x32: {  	s10 =	sld [smem:$0x3FB2];
	_ =	sdelay $0x3  }
0x33: {  	p0 =	seq.s32 s10, $0x1;
	s10 =	sld [smem:$0x3FB4];
	_ =	sdelay $0x3  }
0x34: {  	[smem:$0x3FB4] =	sst s10  }
0x35: {  	s10 =	sld [smem:$0x3FB3];
	_ =	sdelay $0x3  }
0x36: {  	p1 =	seq.s32 s10, $0x1;
	s10 =	sld [smem:$0x3FB4];
	_ =	sdelay $0x3  }
0x37: {  	[smem:$0x3FB4] =	sst s10  }
0x38: {  	s10 =	sld [smem:$0x3FB5]  }
0x39: {  	_ = 	snop;
	(pc) =	sbr.ind lr, $3  }
0x3a: {  	_ = 	snop  }
0x3b: {  	_ = 	snop  }
0x3c: {  	p2 =	seq.s32 s10, $0x1;
	s10 =	sld [smem:$0x3FB4]  }
0x3d: {  	_ =	shalt  }
0x3e: {  	_ =	shalt  }
0x3f: {  	_ =	shalt  }
0x40: {  	_ =	shalt  }
0x41: {  	_ =	shalt  }
0x42: {  	_ =	shalt  }
0x43: {  	_ =	shalt  }
0x44: {  	_ =	shalt  }
0x45: {  	_ =	shalt  }
0x46: {  	_ =	shalt  }
0x47: {  	_ =	shalt  }
0x48: {  	_ =	shalt  }
0x49: {  	_ =	shalt  }
0x4a: {  	_ =	shalt  }
0x4b: {  	_ =	shalt  }
0x4c: {  	_ =	shalt  }
0x4d: {  	_ =	shalt  }
0x4e: {  	_ =	shalt  }
0x4f: {  	_ =	shalt  }
0x50: {  	_ =	shalt  }
0x51: {  	_ =	shalt  }
0x52: {  	_ =	shalt  }
0x53: {  	_ =	shalt  }
0x54: {  	_ =	shalt  }
0x55: {  	_ =	shalt  }
0x56: {  	_ =	shalt  }
0x57: {  	_ =	shalt  }
0x58: {  	_ =	shalt  }
0x59: {  	_ =	shalt  }
0x5a: {  	_ =	shalt  }
0x5b: {  	_ =	shalt  }
0x5c: {  	_ =	shalt  }
0x5d: {  	_ =	shalt  }
0x5e: {  	_ =	shalt  }
0x5f: {  	_ =	shalt  }
0x60: {  	_ =	shalt  }
0x61: {  	_ =	shalt  }
0x62: {  	_ =	shalt  }
0x63: {  	_ =	shalt  }
0x64: {  	_ =	shalt  }
0x65: {  	_ =	shalt  }
0x66: {  	_ =	shalt  }
0x67: {  	_ =	shalt  }
0x68: {  	_ =	shalt  }
0x69: {  	_ =	shalt  }
0x6a: {  	_ =	shalt  }
0x6b: {  	_ =	shalt  }
0x6c: {  	_ =	shalt  }
0x6d: {  	_ =	shalt  }
0x6e: {  	_ =	shalt  }
0x6f: {  	_ =	shalt  }
0x70: {  	_ =	shalt  }
0x71: {  	_ =	shalt  }
0x72: {  	_ =	shalt  }
0x73: {  	_ =	shalt  }
0x74: {  	_ =	shalt  }
0x75: {  	_ =	shalt  }
0x76: {  	_ =	shalt  }
0x77: {  	_ =	shalt  }
0x78: {  	_ =	shalt  }
0x79: {  	_ =	shalt  }
0x7a: {  	_ =	shalt  }
0x7b: {  	_ =	shalt  }
0x7c: {  	_ =	shalt  }
0x7d: {  	_ =	shalt  }
0x7e: {  	_ =	shalt  }
0x7f: {  	_ =	shalt  }
0x80: {  	_ =	shalt  }
0x81: {  	_ =	shalt  }
0x82: {  	_ =	shalt  }
0x83: {  	_ =	shalt  }
0x84: {  	_ =	shalt  }
0x85: {  	_ =	shalt  }
0x86: {  	_ =	shalt  }
0x87: {  	_ =	shalt  }
.Lfunc_end0:
.L_simem_size_0:
called_computation.2_lowered:
.L_overlay_start_0:
0x88: {  	s2 =	sld [smem:$0x3FD9]  }
0x89: {  	s3 =	sld [smem:$0x3FFE];
	_ =	sdelay $0x1  }
0x8a: {  	s1 =	srdreg.scid  }
0x8b: {  	s0 =	sand.u32 $0x1, s1  }
0x8c: {  	s17 =	sshll.u32 s0, $0xA;
	s2 =	sadd.s32 s3, s2  }
0x8d: {  	s2 =	sadd.s32 s2, s17  }
0x8e: {  	[smem:$0x3FC0] =	sst s2  }
0x8f: {  	_ = 	snop  }
0x90: {  	s2 =	sld [smem:$0x3FD0];
	(tm) =	ssettm $0x1  }
0x91: {  	s18 =	sld [smem:$0x3FFB];
	_ =	sdelay $0x3  }
0x92: {  	_ =	strace s18  }
0x93: {  	s3 =	sld [smem:$0x3FFC];
	_ =	sdelay $0x3  }
0x94: {  	_ =	strace s3  }
0x95: {  	s3 =	sld [smem:$0x3FFD];
	_ =	sdelay $0x3  }
0x96: {  	_ =	strace s3  }
0x97: {  	_ =	strace $0x8FFFFFFF  }
0x98: {  	s19 =	sld [smem:$0x3FDB];
	_ =	sdelay $0x1  }
0x99: {  	s4 =	simm.s32 $_scs_section_size  }
0x9a: {  	s5 =	simm.s32 $_size__tile_overlayer_lowered;
	s6 =	simm.s32 $_tile_overlayer_lowered  }
0x9b: {  	s22 =	simm.s32 $0x1BFF;
	s21 =	sshll.u32 s6, $0x1;
	s3 =	sadd.s32 s4, s19  }
0x9c: {  	s7 =	simm.s32 $0x0;
	s20 =	sshll.u32 s5, $0x1;
	s5 =	sadd.s32 s21, s3  }
0x9d: {  	[timem:s7], [sflag:s22] =	dma.local [hbm:s5], s20  }
0x9e: {  	_ =	swait.ge [sflag:s22], s20  }
0x9f: {  	s4 =	ssub.s32 $0x0, s20;
	[sflag:s22] =	ssyncset.done $0x0  }
0xa0: {  	[sflag:s22] =	ssyncadd.s32 s4;
	_ =	sdelay $0x1  }
0xa1: {  	s23 =	simm.s32 $0x1B8B  }
0xa2: {  	_ =	swait.ge [sflag:s23], $0x1  }
0xa3: {  	[sflag:s23] =	ssyncset.done $0x0  }
0xa4: {  	s25 =	simm.s32 $0x1B8E;
	s24 =	sld [smem:$0x3FFE];
	[sflag:s23] =	ssyncadd.s32 $0xFFFFFFFF  }
0xa5: {  	s26 =	simm.s32 $execute0_lowered;
	[smem:$0x3FD2] =	sst s25  }
0xa6: {  	s5 =	sshll.u32 s26, $0x1;
	_ =	strace $0x8000004C;
	[dreg:$0x1] =	wrdreg $0xFFFFFFFF  }
0xa7: {  	s28 =	simm.s32 $_size_execute0_lowered;
	s3 =	sadd.s32 s3, s5;
	[dreg:$0x0] =	wrdreg $0x0  }
0xa8: {  	s5 =	sshll.u32 s28, $0x1;
	[dreg:$0x2] =	wrdreg s3  }
0xa9: {  	[dreg:$0x3] =	wrdreg s5  }
0xaa: {  	[dreg:$0x4] =	wrdreg $0xC0  }
0xab: {  	_ =	task [dreg:s7], $0x5FFFF  }
0xac: {  	[dreg:$0x1] =	wrdreg $0xFFFFFFFF  }
0xad: {  	[dreg:$0x0] =	wrdreg $0x60  }
0xae: {  	[dreg:$0x2] =	wrdreg s2  }
0xaf: {  	[dreg:$0x3] =	wrdreg s24  }
0xb0: {  	[dreg:$0x4] =	wrdreg $0x90000  }
0xb1: {  	[dreg:$0x5] =	wrdreg $0x9  }
0xb2: {  	_ =	task.clear_ibuf [dreg:s7], $0x6FFFF;
	_ =	strace $0x9000004C  }
0xb3: {  	s29 =	simm.s32 $0x9;
	_ =	strace $0x8000004E  }
0xb4: {  	_ =	swait.ge [sflag:s29], $0x1  }
0xb5: {  	[sflag:s29] =	ssyncadd.s32 $0xFFFFFFFF  }
0xb6: {  	_ =	strace $0x9000004E  }
0xb7: {  	_ =	sfence  }
0xb8: {  	s30 =	sld [smem:$0x0];
	_ =	sdelay $0x2  }
0xb9: {  	s31 =	sshll.u32 s1, $0xD;
	s1 =	sshrl.u32 s1, $0x2  }
0xba: {  	s3 =	sand.u32 $0x4000, s31;
	s1 =	sadd.s32 s1, s30  }
0xbb: {  	s0 =	sor.u32 s3, s0;
	s1 =	sshll.u32 s1, $0x11  }
0xbc: {  	s0 =	sor.u32 s1, s0  }
0xbd: {  	s0 =	sadd.s32 $0x8F2B, s0  }
0xbe: {  	[sflag:s0] =	ssyncadd.remote.s32 $0x1  }
0xbf: {  	_ =	sfence.sel $0xFFFF  }
0xc0: {  	[dreg:$0x0] =	wrdreg $0xFFFFFFFF;
	(pc) =	sbr.abs _section_cstart, $3  }
0xc1: {  	[dreg:$0x1] =	wrdreg $0xFFFFFFFF  }
0xc2: {  	_ =	task.clear_ibuf [dreg:s7], $0x2FFFF;
	_ =	strace $0x9FFFFFFF  }
0xc3: {  	(tm) =	ssettm $0x7FFFFFFF  }
tec
execute0_lowered:
.L_overlay_start_1:
0x0: {  	(tag) =	ssettag $0x1  }
0x1: {  	s1 =	rddreg [dreg:$0x0]  }
0x2: {  	s2 =	srdreg.scid;
	s7 =	rddreg [dreg:$0x1]  }
0x3: {  	s0 =	stileid.u32;
	s3 =	rddreg [dreg:$0x2];
	s4 =	simm.s32 $0x0  }
0x4: {  	s15 =	simm.s32 $0x2;
	s16 =	simm.s32 $0x2800;
	s17 =	simm.s32 $0x80  }
0x5: {  	s18 =	simm.s32 $0x1;
	s22 =	simm.s32 $0x0;
	s5 =	sand.u32 $0x1, s2  }
0x6: {  	s28 =	sshll.u32 s0, $0x1;
	s2 =	rddreg [dreg:$0x3];
	s8 =	smul.u32 $0x4F000, s0  }
0x7: {  	[smem:$0x7FF] =	sst s4;
	s20 =	smul.u32 $0x2780, s0;
	s31 =	sshll.u32 s0, $0x6  }
0x8: {  	s6 =	sor.u32 s5, s28;
	_ =	strace $0x8000004D;
	s9 =	smul.u32 $0x27800, s5  }
0x9: {  	s10 =	ssub.s32 $0x2, s5;
	s5 =	sadd.s32 $0x15E00, s7;
	s6 =	smul.u32 $0x500, s6  }
0xa: {  	s29 =	sshrl.u32 s8, $0x2;
	s30 =	sshrl.u32 s10, $0x1;
	s13 =	sadd.s32 s9, s7  }
0xb: {  	s14 =	ssub.s32 s10, s30;
	s12 =	sadd.s32 s6, s7;
	s6 =	sadd.s32 s29, s3  }
0xc: {  	s19 =	sadd.s32 $0x16600, s13;
	s13 =	smax.u32 s14, $0x1;
	s14 =	simm.s32 $0x5000  }
0xd: {  	s7 =	sadd.s32 $0x4000, s6;
	s8 =	sadd.s32 $0x8000, s6;
	s9 =	sadd.s32 $0xC000, s6  }
0xe: {  	s10 =	sadd.s32 $0x10000, s6;
	s11 =	sadd.s32 $0xBE00, s12;
	s12 =	sadd.s32 $0x1E00, s12  }
0xf: {  	s19 =	sadd.s32 s20, s19;
	s20 =	sor.u32 $0x1C02, s31;
	s21 =	sshrl.u32 s6, $0x3  }
.LBB2_1:
0x10: {  	[tilespmem:s14], [sflag:$0x2] =	stream.linear.gather [hbm4b:s5+s4], $0x4000, $0x38;
	[tilespmem:$0x1CC00] =	vst v63  }
0x11: {  	_ =	swait.ge [sflag:s15], $0x4000  }
0x12: {  	[sflag:s15] =	ssyncset.done $0x0  }
0x13: {  	[sflag:s15] =	ssyncadd.s32 $0xFFFFC000  }
0x14: {  	[spmem:s6] =	stream.linear.scatter [tilespmem:s14], [sflag:$0x2], $0x4000, $0x38;
	[tilespmem:$0x1CC00] =	vst v63  }
0x15: {  	_ =	swait.ge [sflag:s15], $0x4000  }
0x16: {  	[sflag:s15] =	ssyncset.done $0x0  }
0x17: {  	[sflag:s15] =	ssyncadd.s32 $0xFFFFC000  }
0x18: {  	[spmem:s7] =	stream.linear.scatter [tilespmem:s14], [sflag:$0x2], $0x4000, $0x38;
	[tilespmem:$0x1CC00] =	vst v63  }
0x19: {  	_ =	swait.ge [sflag:s15], $0x4000  }
0x1a: {  	[sflag:s15] =	ssyncset.done $0x0  }
0x1b: {  	[sflag:s15] =	ssyncadd.s32 $0xFFFFC000  }
0x1c: {  	[spmem:s8] =	stream.linear.scatter [tilespmem:s14], [sflag:$0x2], $0x4000, $0x38;
	[tilespmem:$0x1CC00] =	vst v63  }
0x1d: {  	_ =	swait.ge [sflag:s15], $0x4000  }
0x1e: {  	[sflag:s15] =	ssyncset.done $0x0  }
0x1f: {  	[sflag:s15] =	ssyncadd.s32 $0xFFFFC000  }
0x20: {  	[spmem:s9] =	stream.linear.scatter [tilespmem:s14], [sflag:$0x2], $0x4000, $0x38;
	[tilespmem:$0x1CC00] =	vst v63  }
0x21: {  	_ =	swait.ge [sflag:s15], $0x4000  }
0x22: {  	[sflag:s15] =	ssyncset.done $0x0  }
0x23: {  	[sflag:s15] =	ssyncadd.s32 $0xFFFFC000  }
0x24: {  	[spmem:s10] =	stream.linear.scatter [tilespmem:s14], [sflag:$0x2], $0x3C00, $0x38;
	[tilespmem:$0x1CC00] =	vst v63  }
0x25: {  	_ =	swait.ge [sflag:s15], $0x3C00  }
0x26: {  	[sflag:s15] =	ssyncset.done $0x0  }
0x27: {  	[sflag:s15] =	ssyncadd.s32 $0xFFFFC400  }
0x28: {  	[bflag:$0x0] =	sbarrier.arrive $0xFFFF  }
0x29: {  	[tilespmem:s4], [sflag:$0x2] =	stream.linear.gather [hbm4b:s11+s4], $0x2780, $0x38;
	[tilespmem:$0x1CC00] =	vst v63  }
0x2a: {  	_ =	swait.ge [sflag:s15], $0x2780  }
0x2b: {  	[sflag:s15] =	ssyncset.done $0x0  }
0x2c: {  	[sflag:s15] =	ssyncadd.s32 $0xFFFFD880  }
0x2d: {  	[tilespmem:s16], [sflag:$0x2] =	stream.linear.gather [hbm4b:s12+s4], $0x2780, $0x38;
	[tilespmem:$0x1CC00] =	vst v63  }
0x2e: {  	_ =	swait.ge [sflag:s15], $0x2780  }
0x2f: {  	[sflag:s15] =	ssyncset.done $0x0  }
0x30: {  	s23 =	simm.s32 $0x0;
	[sflag:s15] =	ssyncadd.s32 $0xFFFFD880  }
0x31: {  	[tilespmem:s14], [sflag:$0x1] =	stream.indirect.gather [hbm4b:s1+s17], $0x80, s23, s17, $0xb8;
	[tilespmem:$0x1CC00] =	vst v63  }
0x32: {  	_ =	swait.ge [sflag:s18], $0x4000  }
0x33: {  	[sflag:s18] =	ssyncset.done $0x0  }
0x34: {  	s31 =	simm.s32 $0x2800;
	[sflag:s18] =	ssyncadd.s32 $0xFFFFC000  }
0x35: {  	[spmem:s3] =	stream.indirect.scatter.add.f32 [tilespmem:s14], [sflag:$0x2], $0x80, s31, s17, $0xb8;
	[tilespmem:$0x1CC00] =	vst v63  }
0x36: {  	_ =	swait.ge [sflag:s15], $0x4000  }
0x37: {  	s24 =	simm.s32 $0x400;
	s23 =	simm.s32 $0x200;
	[sflag:s15] =	ssyncset.done $0x0  }
.LBB2_2:
0x38: {  	s25 =	sshra.s32 s23, $0x2  }
0x39: {  	[sflag:s15] =	ssyncadd.s32 $0xFFFFC000;
	s23 =	smov.u32 s24;
	s26 =	sadd.s32 $0x200, s24  }
0x3a: {  	[tilespmem:s14], [sflag:$0x1] =	stream.indirect.gather [hbm4b:s1+s17], $0x80, s25, s17, $0xb8;
	[tilespmem:$0x1CC00] =	vst v63  }
0x3b: {  	p0 =	sne.s32 s24, $0x9C00;
	_ =	swait.ge [sflag:s18], $0x4000  }
.Ltmp0:
0x3c: {  	[sflag:s18] =	ssyncset.done $0x0;
	(pc) =	sbr.rel @p0 .LBB2_2-.Ltmp0, $4  }
0x3d: {  	s24 =	sadd.s32 $0x2800, s25;
	[sflag:s18] =	ssyncadd.s32 $0xFFFFC000  }
0x3e: {  	[spmem:s3] =	stream.indirect.scatter.add.f32 [tilespmem:s14], [sflag:$0x2], $0x80, s24, s17, $0xb8;
	[tilespmem:$0x1CC00] =	vst v63  }
0x3f: {  	_ =	swait.ge [sflag:s15], $0x4000  }
0x40: {  	s24 =	smov.u32 s26;
	[sflag:s15] =	ssyncset.done $0x0  }
0x41: {  	s23 =	sshra.s32 s23, $0x2;
	[sflag:s15] =	ssyncadd.s32 $0xFFFFC000  }
0x42: {  	[tilespmem:s14], [sflag:$0x1] =	stream.indirect.gather [hbm4b:s1+s17], $0x80, s23, s17, $0xb8;
	[tilespmem:$0x1CC00] =	vst v63  }
0x43: {  	_ =	swait.ge [sflag:s18], $0x4000  }
0x44: {  	[sflag:s18] =	ssyncset.done $0x0  }
0x45: {  	s23 =	sadd.s32 $0x2800, s23;
	[sflag:s18] =	ssyncadd.s32 $0xFFFFC000  }
0x46: {  	[spmem:s3] =	stream.indirect.scatter.add.f32 [tilespmem:s14], [sflag:$0x2], $0x80, s23, s17, $0xb8;
	[tilespmem:$0x1CC00] =	vst v63  }
0x47: {  	_ =	swait.ge [sflag:s15], $0x4000  }
0x48: {  	s22 =	sadd.s32 $0x1, s22;
	[sflag:s15] =	ssyncset.done $0x0  }
0x49: {  	p0 =	sne.s32 s22, s13;
	[sflag:s15] =	ssyncadd.s32 $0xFFFFC000  }
.Ltmp1:
0x4a: {  	[bflag:$0x0] =	sbarrier.arrive $0xFFFF;
	(pc) =	sbr.rel @p0 .LBB2_1-.Ltmp1, $4  }
0x4b: {  	[hbm:s19], [sflag:s20] =	dma.local [spmem:s21], $0x2780  }
0x4c: {  	_ =	swait.ge [sflag:s15], $0x2780  }
0x4d: {  	[sflag:s15] =	ssyncset.done $0x0  }
0x4e: {  	[sflag:s15] =	ssyncadd.s32 $0xFFFFD880  }
0x4f: {  	_ =	sfence.sel $0x180000  }
0x50: {  	[bflag:$0x0] =	sbarrier.arrive $0xFFFF  }
0x51: {  	p0 =	sne.s32 s0, $0x0;
	_ =	strace $0x9000004D  }
0x52: {  	s0 =	sadd.s32 @!p0 $0x100000, s2;
	[bflag:$0x2] =	sbarrier.arrive $0xFFFF  }
0x53: {  	[sflag:s0] =	ssyncadd.tile.s32 @!p0 $0x1;
	_ =	shalt  }
.Lfunc_end2:
_tile_overlayer_lowered:
.L_overlay_start_2:
0x54: {  	(tag) =	ssettag $0x2  }
0x55: {  	s0 =	rddreg [dreg:$0x0];
	s2 =	stileid.u32  }
0x56: {  	s1 =	rddreg [dreg:$0x1];
	p0 =	sne.s32 s2, $0x0  }
0x57: {  	s3 =	rddreg [dreg:$0x2];
	[bflag:$0x3] =	sbarrier.arrive $0xFFFF;
	s2 =	simm.s32 @!p0 $0x1C02  }
0x58: {  	[timem:s3], [sflag:s2] =	dma.local @!p0 [hbm:s0], s1  }
0x59: {  	s0 =	simm.s32 @!p0 $0x2  }
0x5a: {  	_ =	swait.ge @!p0 [sflag:s0], s1  }
0x5b: {  	s1 =	ssub.s32 @!p0 $0x0, s1;
	[sflag:s0] =	ssyncset.done @!p0 $0x0  }
0x5c: {  	[sflag:s0] =	ssyncadd.s32 @!p0 s1  }
0x5d: {  	[bflag:$0x3] =	sbarrier.arrive $0xFFFF  }
0x5e: {  	_ =	shalt  }

// kernel: kernel.8.cloned.1.call-start
scs
__scs_entry_jumppad:
0x0: {  	(pc) =	sbr.rel $0x88, $3  }
0x1: {  	(tag) =	ssettag $0x0;
	lr =	simm.s32 $0x1  }
0x2: {  	[smem:$0x3F99] =	sst lr;
	_ =	strace $0xD0000000  }
0x3: {  	_ = 	snop  }
0x4: {  	_ = 	snop  }
0x5: {  	_ = 	snop  }
0x6: {  	_ = 	snop  }
0x7: {  	_ = 	snop  }
__scs_overlays_trampoline_lowered:
0x8: {  	[smem:$0x3FA8] =	sst s0  }
0x9: {  	[smem:$0x3FA9] =	sst s1  }
0xa: {  	[smem:$0x3FAA] =	sst s2  }
0xb: {  	[smem:$0x3FAB] =	sst s3  }
0xc: {  	[smem:$0x3FAC] =	sst s4  }
0xd: {  	[smem:$0x3FAD] =	sst s5  }
0xe: {  	[smem:$0x3FAE] =	sst s6  }
0xf: {  	[smem:$0x3FAF] =	sst s7  }
0x10: {  	[smem:$0x3FB0] =	sst s8  }
0x11: {  	[smem:$0x3FB1] =	sst s9;
	s0 =	simm.s32 @!p0 $0x0  }
0x12: {  	s1 =	sld [smem:$0x3F97];
	s0 =	simm.s32 @p0 $0x1  }
0x13: {  	[smem:$0x3FB2] =	sst s0;
	s0 =	simm.s32 @!p1 $0x0  }
0x14: {  	s2 =	sld [smem:$0x3F96];
	s0 =	simm.s32 @p1 $0x1  }
0x15: {  	[smem:$0x3FB3] =	sst s0;
	s0 =	simm.s32 @!p2 $0x0  }
0x16: {  	s3 =	sld [smem:$0x3FDB];
	s0 =	simm.s32 @p2 $0x1  }
0x17: {  	s4 =	simm.s32 $0x1BF5;
	[smem:$0x3FB5] =	sst s0  }
0x18: {  	s0 =	sld [smem:$0x3F98];
	_ =	swait.ge [sflag:s4], $0x0  }
0x19: {  	s7 =	sld [smem:$0x3F99]  }
0x1a: {  	s8 =	sadd.s32 $0xFFFFE003, lr  }
0x1b: {  	s9 =	sadd.s32 $0xFFFFFEF7, lr;
	s5 =	simm.s32 $0xFFFFFFFF;
	p2 =	slt.u32 s8, $0xFFFFF086  }
0x1c: {  	p1 =	slt.u32 s9, $0xF7A;
	s5 =	simm.s32 @!p2 $0x0  }
0x1d: {  	s5 =	simm.s32 @p1 $0x1;
	p0 =	seq.s32 s7, s2  }
0x1e: {  	s7 =	smul.u32 @!p0 $0xF7A, s2;
	p2 =	seq.s32 @!p0 s5, $0x0  }
0x1f: {  	s9 =	smul.u32 $0xF7A, s1;
	s8 =	simm.s32 @!p0 $0x1BF5;
	p2 =	por !p2, p0  }
0x20: {  	[sflag:s8] =	ssyncset.s32 @!p0 $0xFFFFF086;
	s6 =	sadd.s32 @!p0 s3, s7;
	s7 =	simm.s32 @!p0 $0x108  }
0x21: {  	s3 =	sadd.s32 s3, s9;
	s6 =	sadd.s32 @!p0 $0x88, s6;
	s7 =	simm.s32 @p2 $0x1082  }
0x22: {  	[simem:s7], [sflag:s8] =	dma.local @!p0 [hbm:s6], $0xF7A  }
0x23: {  	s9 =	sor.u32 $0xD0000000, s2;
	s6 =	simm.s32 $0x108;
	_ =	swait.ge @!p0 [sflag:s8], $0x0  }
0x24: {  	s3 =	sadd.s32 $0x88, s3;
	s6 =	simm.s32 @!p1 $0x1082;
	[sflag:s4] =	ssyncset.s32 $0xFFFFF086  }
0x25: {  	[simem:s6], [sflag:s4] =	dma.local [hbm:s3], $0xF7A  }
0x26: {  	[smem:$0x3F99] =	sst s1;
	(tag) =	ssettag s2;
	_ =	strace s9  }
0x27: {  	s1 =	sld [smem:$0x3FA9]  }
0x28: {  	s2 =	sld [smem:$0x3FAA]  }
0x29: {  	s4 =	sld [smem:$0x3FAC]  }
0x2a: {  	p0 =	seq.s32 s5, $0x0;
	s5 =	sld [smem:$0x3FAD]  }
0x2b: {  	s6 =	sld [smem:$0x3FAE]  }
0x2c: {  	s7 =	sld [smem:$0x3FAF]  }
0x2d: {  	s3 =	simm.s32 $0x108;
	s8 =	sld [smem:$0x3FB0]  }
0x2e: {  	s3 =	simm.s32 @!p0 $0x1082;
	s9 =	sld [smem:$0x3FB1]  }
0x2f: {  	lr =	sadd.s32 s0, s3;
	s0 =	sld [smem:$0x3FA8]  }
0x30: {  	s3 =	sld [smem:$0x3FAB]  }
0x31: {  	[smem:$0x3FB4] =	sst s10  }
0x32: {  	s10 =	sld [smem:$0x3FB2];
	_ =	sdelay $0x3  }
0x33: {  	p0 =	seq.s32 s10, $0x1;
	s10 =	sld [smem:$0x3FB4];
	_ =	sdelay $0x3  }
0x34: {  	[smem:$0x3FB4] =	sst s10  }
0x35: {  	s10 =	sld [smem:$0x3FB3];
	_ =	sdelay $0x3  }
0x36: {  	p1 =	seq.s32 s10, $0x1;
	s10 =	sld [smem:$0x3FB4];
	_ =	sdelay $0x3  }
0x37: {  	[smem:$0x3FB4] =	sst s10  }
0x38: {  	s10 =	sld [smem:$0x3FB5]  }
0x39: {  	_ = 	snop;
	(pc) =	sbr.ind lr, $3  }
0x3a: {  	_ = 	snop  }
0x3b: {  	_ = 	snop  }
0x3c: {  	p2 =	seq.s32 s10, $0x1;
	s10 =	sld [smem:$0x3FB4]  }
0x3d: {  	_ =	shalt  }
0x3e: {  	_ =	shalt  }
0x3f: {  	_ =	shalt  }
0x40: {  	_ =	shalt  }
0x41: {  	_ =	shalt  }
0x42: {  	_ =	shalt  }
0x43: {  	_ =	shalt  }
0x44: {  	_ =	shalt  }
0x45: {  	_ =	shalt  }
0x46: {  	_ =	shalt  }
0x47: {  	_ =	shalt  }
0x48: {  	_ =	shalt  }
0x49: {  	_ =	shalt  }
0x4a: {  	_ =	shalt  }
0x4b: {  	_ =	shalt  }
0x4c: {  	_ =	shalt  }
0x4d: {  	_ =	shalt  }
0x4e: {  	_ =	shalt  }
0x4f: {  	_ =	shalt  }
0x50: {  	_ =	shalt  }
0x51: {  	_ =	shalt  }
0x52: {  	_ =	shalt  }
0x53: {  	_ =	shalt  }
0x54: {  	_ =	shalt  }
0x55: {  	_ =	shalt  }
0x56: {  	_ =	shalt  }
0x57: {  	_ =	shalt  }
0x58: {  	_ =	shalt  }
0x59: {  	_ =	shalt  }
0x5a: {  	_ =	shalt  }
0x5b: {  	_ =	shalt  }
0x5c: {  	_ =	shalt  }
0x5d: {  	_ =	shalt  }
0x5e: {  	_ =	shalt  }
0x5f: {  	_ =	shalt  }
0x60: {  	_ =	shalt  }
0x61: {  	_ =	shalt  }
0x62: {  	_ =	shalt  }
0x63: {  	_ =	shalt  }
0x64: {  	_ =	shalt  }
0x65: {  	_ =	shalt  }
0x66: {  	_ =	shalt  }
0x67: {  	_ =	shalt  }
0x68: {  	_ =	shalt  }
0x69: {  	_ =	shalt  }
0x6a: {  	_ =	shalt  }
0x6b: {  	_ =	shalt  }
0x6c: {  	_ =	shalt  }
0x6d: {  	_ =	shalt  }
0x6e: {  	_ =	shalt  }
0x6f: {  	_ =	shalt  }
0x70: {  	_ =	shalt  }
0x71: {  	_ =	shalt  }
0x72: {  	_ =	shalt  }
0x73: {  	_ =	shalt  }
0x74: {  	_ =	shalt  }
0x75: {  	_ =	shalt  }
0x76: {  	_ =	shalt  }
0x77: {  	_ =	shalt  }
0x78: {  	_ =	shalt  }
0x79: {  	_ =	shalt  }
0x7a: {  	_ =	shalt  }
0x7b: {  	_ =	shalt  }
0x7c: {  	_ =	shalt  }
0x7d: {  	_ =	shalt  }
0x7e: {  	_ =	shalt  }
0x7f: {  	_ =	shalt  }
0x80: {  	_ =	shalt  }
0x81: {  	_ =	shalt  }
0x82: {  	_ =	shalt  }
0x83: {  	_ =	shalt  }
0x84: {  	_ =	shalt  }
0x85: {  	_ =	shalt  }
0x86: {  	_ =	shalt  }
0x87: {  	_ =	shalt  }
.Lfunc_end0:
.L_simem_size_0:
called_computation_lowered:
.L_overlay_start_0:
0x88: {  	s2 =	sld [smem:$0x3FD9]  }
0x89: {  	s3 =	sld [smem:$0x3FFE];
	_ =	sdelay $0x1  }
0x8a: {  	s1 =	srdreg.scid  }
0x8b: {  	s0 =	sand.u32 $0x1, s1  }
0x8c: {  	s17 =	sshll.u32 s0, $0xA;
	s2 =	sadd.s32 s3, s2  }
0x8d: {  	s2 =	sadd.s32 s2, s17  }
0x8e: {  	[smem:$0x3FC0] =	sst s2  }
0x8f: {  	_ = 	snop  }
0x90: {  	(tm) =	ssettm $0x1  }
0x91: {  	s18 =	sld [smem:$0x3FFB];
	_ =	sdelay $0x3  }
0x92: {  	_ =	strace s18  }
0x93: {  	s2 =	sld [smem:$0x3FFC];
	_ =	sdelay $0x3  }
0x94: {  	_ =	strace s2  }
0x95: {  	s2 =	sld [smem:$0x3FFD];
	_ =	sdelay $0x3  }
0x96: {  	_ =	strace s2  }
0x97: {  	_ =	strace $0x8FFFFFFF  }
0x98: {  	s19 =	sld [smem:$0x3FDB];
	_ =	sdelay $0x1  }
0x99: {  	s20 =	simm.s32 $_scs_section_size  }
0x9a: {  	s4 =	simm.s32 $_size__tile_overlayer_lowered;
	s5 =	simm.s32 $_tile_overlayer_lowered  }
0x9b: {  	s6 =	simm.s32 $0x1BFF;
	s21 =	sshll.u32 s5, $0x1;
	s3 =	sadd.s32 s20, s19  }
0x9c: {  	s22 =	simm.s32 $0x0;
	s4 =	sshll.u32 s4, $0x1;
	s5 =	sadd.s32 s21, s3  }
0x9d: {  	[timem:s22], [sflag:s6] =	dma.local [hbm:s5], s4  }
0x9e: {  	_ =	swait.ge [sflag:s6], s4  }
0x9f: {  	s4 =	ssub.s32 $0x0, s4;
	[sflag:s6] =	ssyncset.done $0x0  }
0xa0: {  	[sflag:s6] =	ssyncadd.s32 s4;
	_ =	sdelay $0x1  }
0xa1: {  	s23 =	simm.s32 $0x1B8B  }
0xa2: {  	_ =	swait.ge [sflag:s23], $0x1  }
0xa3: {  	[sflag:s23] =	ssyncset.done $0x0  }
0xa4: {  	[sflag:s23] =	ssyncadd.s32 $0xFFFFFFFF  }
0xa5: {  	s4 =	sld [smem:$0x0]  }
0xa6: {  	s5 =	sand.u32 $0xFFFFFFFE, s1  }
0xa7: {  	p0 =	sne.s32 s1, s5  }
0xa8: {  	s5 =	sshll.u32 @p0 s5, $0xE  }
0xa9: {  	s5 =	sadd.s32 @p0 $0x11B8D, s5;
	s6 =	sshll.u32 @p0 s4, $0x11  }
0xaa: {  	s5 =	sor.u32 @p0 s6, s5  }
0xab: {  	[sflag:s5] =	ssyncadd.remote.s32 @p0 $0x1;
	_ =	sdelay $0x1  }
0xac: {  	s5 =	simm.s32 @p0 $0x1B8D  }
0xad: {  	_ =	swait.eq @p0 [sflag:s5], $0x1  }
0xae: {  	[sflag:s5] =	ssyncadd.s32 @p0 $0xFFFFFFFF  }
0xaf: {  	s6 =	sshll.u32 @!p0 s1, $0xE  }
0xb0: {  	s6 =	sor.u32 @!p0 $0x4000, s6;
	s5 =	simm.s32 @!p0 $0x1B8D  }
0xb1: {  	s4 =	sshll.u32 @!p0 s4, $0x11;
	s6 =	sadd.s32 @!p0 $0x11B8D, s6;
	_ =	swait.eq @!p0 [sflag:s5], $0x1  }
0xb2: {  	s4 =	sor.u32 @!p0 s4, s6;
	[sflag:s5] =	ssyncadd.s32 @!p0 $0xFFFFFFFF  }
0xb3: {  	s25 =	simm.s32 $0x1B8E;
	s24 =	sld [smem:$0x3FFE];
	[sflag:s4] =	ssyncadd.remote.s32 @!p0 $0x1  }
0xb4: {  	s26 =	simm.s32 $execute0_lowered;
	[smem:$0x3FD2] =	sst s25  }
0xb5: {  	s5 =	sshll.u32 s26, $0x1;
	_ =	strace $0x80000049;
	[dreg:$0x1] =	wrdreg $0xFFFFFFFF  }
0xb6: {  	s28 =	simm.s32 $_size_execute0_lowered;
	s3 =	sadd.s32 s3, s5;
	[dreg:$0x0] =	wrdreg $0x0  }
0xb7: {  	s5 =	sshll.u32 s28, $0x1;
	[dreg:$0x2] =	wrdreg s3  }
0xb8: {  	[dreg:$0x3] =	wrdreg s5  }
0xb9: {  	[dreg:$0x4] =	wrdreg $0xC0  }
0xba: {  	_ =	task [dreg:s22], $0x5FFFF  }
0xbb: {  	[dreg:$0x1] =	wrdreg $0xFFFFFFFF  }
0xbc: {  	[dreg:$0x0] =	wrdreg $0x60  }
0xbd: {  	[dreg:$0x2] =	wrdreg s24  }
0xbe: {  	[dreg:$0x3] =	wrdreg $0x68000  }
0xbf: {  	[dreg:$0x4] =	wrdreg $0x9  }
0xc0: {  	_ =	task.clear_ibuf [dreg:s22], $0x5FFFF;
	_ =	strace $0x90000049  }
0xc1: {  	s29 =	simm.s32 $0x9;
	_ =	strace $0x8000004B  }
0xc2: {  	_ =	swait.ge [sflag:s29], $0x1  }
0xc3: {  	[sflag:s29] =	ssyncadd.s32 $0xFFFFFFFF  }
0xc4: {  	_ =	strace $0x9000004B  }
0xc5: {  	_ =	sfence  }
0xc6: {  	s30 =	sld [smem:$0x0];
	_ =	sdelay $0x2  }
0xc7: {  	s31 =	sshll.u32 s1, $0xD;
	s1 =	sshrl.u32 s1, $0x2  }
0xc8: {  	s4 =	sand.u32 $0x4000, s31;
	s1 =	sadd.s32 s1, s30  }
0xc9: {  	s0 =	sor.u32 s4, s0;
	s1 =	sshll.u32 s1, $0x11  }
0xca: {  	s0 =	sor.u32 s1, s0  }
0xcb: {  	s0 =	sadd.s32 $0x8F2B, s0  }
0xcc: {  	[sflag:s0] =	ssyncadd.remote.s32 $0x1  }
0xcd: {  	_ =	sfence.sel $0xFFFF  }
0xce: {  	[dreg:$0x0] =	wrdreg $0xFFFFFFFF;
	(pc) =	sbr.abs _section_cstart, $3  }
0xcf: {  	[dreg:$0x1] =	wrdreg $0xFFFFFFFF  }
0xd0: {  	_ =	task.clear_ibuf [dreg:s22], $0x2FFFF;
	_ =	strace $0x9FFFFFFF  }
0xd1: {  	(tm) =	ssettm $0x7FFFFFFF  }
tec
execute0_lowered:
.L_overlay_start_1:
0x0: {  	(tag) =	ssettag $0x1  }
0x1: {  	s1 =	srdreg.scid  }
0x2: {  	s0 =	stileid.u32;
	s7 =	rddreg [dreg:$0x0]  }
0x3: {  	s2 =	rddreg [dreg:$0x1];
	s3 =	simm.s32 $0x0;
	s14 =	simm.s32 $0x1  }
0x4: {  	s15 =	simm.s32 $0x80;
	s19 =	simm.s32 $0x0;
	s5 =	sand.u32 $0x1, s1  }
0x5: {  	s30 =	sshll.u32 s0, $0x1;
	s1 =	rddreg [dreg:$0x2];
	s6 =	smul.u32 $0x4F000, s0  }
0x6: {  	[smem:$0x7FF] =	sst s3;
	s17 =	smul.u32 $0x2780, s0;
	s31 =	sshll.u32 s0, $0x6  }
0x7: {  	s4 =	sor.u32 s5, s30;
	_ =	strace $0x8000004A;
	s8 =	smul.u32 $0x27800, s5  }
0x8: {  	s9 =	ssub.s32 $0x2, s5;
	s4 =	smul.u32 $0x500, s4;
	s6 =	sshrl.u32 s6, $0x2  }
0x9: {  	s5 =	sadd.s32 $0x65600, s7;
	s10 =	sshrl.u32 s9, $0x1;
	s6 =	sadd.s32 s6, s2  }
0xa: {  	s12 =	sadd.s32 s8, s7;
	s13 =	ssub.s32 s9, s10;
	s11 =	sadd.s32 s4, s7  }
0xb: {  	s4 =	sadd.s32 $0x15E00, s7;
	s7 =	sadd.s32 $0x4000, s6;
	s8 =	sadd.s32 $0x8000, s6  }
0xc: {  	s9 =	sadd.s32 $0xC000, s6;
	s10 =	sadd.s32 $0x10000, s6;
	s16 =	sadd.s32 $0x65E00, s12  }
0xd: {  	s12 =	smax.u32 s13, $0x1;
	s13 =	simm.s32 $0x2800;
	s18 =	sshrl.u32 s6, $0x3  }
0xe: {  	s11 =	sadd.s32 $0x1E00, s11;
	s16 =	sadd.s32 s17, s16;
	s17 =	sor.u32 $0x1C01, s31  }
.LBB2_1:
0xf: {  	[tilespmem:s13], [sflag:$0x1] =	stream.linear.gather [hbm4b:s4+s3], $0x4000, $0x38;
	[tilespmem:$0x1A400] =	vst v63  }
0x10: {  	_ =	swait.ge [sflag:s14], $0x4000  }
0x11: {  	[sflag:s14] =	ssyncset.done $0x0  }
0x12: {  	[sflag:s14] =	ssyncadd.s32 $0xFFFFC000  }
0x13: {  	[spmem:s6] =	stream.linear.scatter [tilespmem:s13], [sflag:$0x1], $0x4000, $0x38;
	[tilespmem:$0x1A400] =	vst v63  }
0x14: {  	_ =	swait.ge [sflag:s14], $0x4000  }
0x15: {  	[sflag:s14] =	ssyncset.done $0x0  }
0x16: {  	[sflag:s14] =	ssyncadd.s32 $0xFFFFC000  }
0x17: {  	[spmem:s7] =	stream.linear.scatter [tilespmem:s13], [sflag:$0x1], $0x4000, $0x38;
	[tilespmem:$0x1A400] =	vst v63  }
0x18: {  	_ =	swait.ge [sflag:s14], $0x4000  }
0x19: {  	[sflag:s14] =	ssyncset.done $0x0  }
0x1a: {  	[sflag:s14] =	ssyncadd.s32 $0xFFFFC000  }
0x1b: {  	[spmem:s8] =	stream.linear.scatter [tilespmem:s13], [sflag:$0x1], $0x4000, $0x38;
	[tilespmem:$0x1A400] =	vst v63  }
0x1c: {  	_ =	swait.ge [sflag:s14], $0x4000  }
0x1d: {  	[sflag:s14] =	ssyncset.done $0x0  }
0x1e: {  	[sflag:s14] =	ssyncadd.s32 $0xFFFFC000  }
0x1f: {  	[spmem:s9] =	stream.linear.scatter [tilespmem:s13], [sflag:$0x1], $0x4000, $0x38;
	[tilespmem:$0x1A400] =	vst v63  }
0x20: {  	_ =	swait.ge [sflag:s14], $0x4000  }
0x21: {  	[sflag:s14] =	ssyncset.done $0x0  }
0x22: {  	[sflag:s14] =	ssyncadd.s32 $0xFFFFC000  }
0x23: {  	[spmem:s10] =	stream.linear.scatter [tilespmem:s13], [sflag:$0x1], $0x3C00, $0x38;
	[tilespmem:$0x1A400] =	vst v63  }
0x24: {  	_ =	swait.ge [sflag:s14], $0x3C00  }
0x25: {  	[sflag:s14] =	ssyncset.done $0x0  }
0x26: {  	[sflag:s14] =	ssyncadd.s32 $0xFFFFC400  }
0x27: {  	[tilespmem:s13], [sflag:$0x1] =	stream.linear.gather [hbm4b:s5+s3], $0x4000, $0x38;
	[tilespmem:$0x1A400] =	vst v63  }
0x28: {  	_ =	swait.ge [sflag:s14], $0x4000  }
0x29: {  	[sflag:s14] =	ssyncset.done $0x0  }
0x2a: {  	[sflag:s14] =	ssyncadd.s32 $0xFFFFC000  }
0x2b: {  	[bflag:$0x0] =	sbarrier.arrive $0xFFFF  }
0x2c: {  	[tilespmem:s3], [sflag:$0x1] =	stream.linear.gather [hbm4b:s11+s3], $0x2780, $0x38;
	[tilespmem:$0x1A400] =	vst v63  }
0x2d: {  	_ =	swait.ge [sflag:s14], $0x2780  }
0x2e: {  	[sflag:s14] =	ssyncset.done $0x0  }
0x2f: {  	s20 =	simm.s32 $0x0;
	[sflag:s14] =	ssyncadd.s32 $0xFFFFD880  }
0x30: {  	[spmem:s2] =	stream.indirect.scatter.add.f32 [tilespmem:s13], [sflag:$0x1], $0x80, s20, s15, $0xb8;
	[tilespmem:$0x1A400] =	vst v63  }
0x31: {  	_ =	swait.ge [sflag:s14], $0x4000  }
0x32: {  	s20 =	simm.s32 $0x200;
	[sflag:s14] =	ssyncset.done $0x0  }
.LBB2_2:
0x33: {  	s21 =	sshra.s32 s20, $0x2;
	[sflag:s14] =	ssyncadd.s32 $0xFFFFC000;
	p0 =	sne.s32 s20, $0x9C00  }
0x34: {  	[spmem:s2] =	stream.indirect.scatter.add.f32 [tilespmem:s13], [sflag:$0x1], $0x80, s21, s15, $0xb8;
	[tilespmem:$0x1A400] =	vst v63  }
.Ltmp0:
0x35: {  	_ = 	snop;
	(pc) =	sbr.rel @p0 .LBB2_2-.Ltmp0, $4  }
0x36: {  	_ = 	snop  }
0x37: {  	s20 =	sadd.s32 $0x200, s20  }
0x38: {  	_ =	swait.ge [sflag:s14], $0x4000  }
0x39: {  	[sflag:s14] =	ssyncset.done $0x0  }
0x3a: {  	s19 =	sadd.s32 $0x1, s19  }
0x3b: {  	[sflag:s14] =	ssyncadd.s32 $0xFFFFC000;
	p0 =	sne.s32 s19, s12  }
.Ltmp1:
0x3c: {  	[bflag:$0x0] =	sbarrier.arrive $0xFFFF;
	(pc) =	sbr.rel @p0 .LBB2_1-.Ltmp1, $4  }
0x3d: {  	[hbm:s16], [sflag:s17] =	dma.local [spmem:s18], $0x2780  }
0x3e: {  	_ =	swait.ge [sflag:s14], $0x2780  }
0x3f: {  	[sflag:s14] =	ssyncset.done $0x0  }
0x40: {  	[sflag:s14] =	ssyncadd.s32 $0xFFFFD880  }
0x41: {  	_ =	sfence.sel $0x180000  }
0x42: {  	[bflag:$0x0] =	sbarrier.arrive $0xFFFF  }
0x43: {  	p0 =	sne.s32 s0, $0x0;
	_ =	strace $0x9000004A  }
0x44: {  	s0 =	sadd.s32 @!p0 $0x100000, s1;
	[bflag:$0x2] =	sbarrier.arrive $0xFFFF  }
0x45: {  	[sflag:s0] =	ssyncadd.tile.s32 @!p0 $0x1;
	_ =	shalt  }
.Lfunc_end2:
_tile_overlayer_lowered:
.L_overlay_start_2:
0x46: {  	(tag) =	ssettag $0x2  }
0x47: {  	s0 =	rddreg [dreg:$0x0];
	s2 =	stileid.u32  }
0x48: {  	s1 =	rddreg [dreg:$0x1];
	p0 =	sne.s32 s2, $0x0  }
0x49: {  	s3 =	rddreg [dreg:$0x2];
	[bflag:$0x3] =	sbarrier.arrive $0xFFFF;
	s2 =	simm.s32 @!p0 $0x1C01  }
0x4a: {  	[timem:s3], [sflag:s2] =	dma.local @!p0 [hbm:s0], s1  }
0x4b: {  	s0 =	simm.s32 @!p0 $0x1  }
0x4c: {  	_ =	swait.ge @!p0 [sflag:s0], s1  }
0x4d: {  	s1 =	ssub.s32 @!p0 $0x0, s1;
	[sflag:s0] =	ssyncset.done @!p0 $0x0  }
0x4e: {  	[sflag:s0] =	ssyncadd.s32 @!p0 s1  }
0x4f: {  	[bflag:$0x3] =	sbarrier.arrive $0xFFFF  }
0x50: {  	_ =	shalt  }

</sc_bundles>
